<compile_context>
chip_gen: v7x
topology: tpu7x:2x2x1
jax: 0.10.2.dev20260603
libtpu: 0.0.44.dev20260713+nightly
codegen_flags: <defaults>
</compile_context>

<pallas_src>
import functools

import numpy as np
import jax
import jax.numpy as jnp
from jax import lax
from jax.experimental import pallas as pl
from jax.experimental.pallas import tpu as pltpu
from jax.experimental.pallas import tpu_sc as plsc

_RATIO = 0.75
_NC = 2
_NS = 16
_NW = _NC * _NS
_NBUF = 2


def _host_indexes(T, B):
    rng = np.random.RandomState(0)
    fwd = []
    bwd = []
    for _ in range(B):
        p = rng.permutation(T)
        fwd.append(p)
        bwd.append(np.argsort(p))
    return np.stack(fwd, axis=-1), np.stack(bwd, axis=-1)


def _sc_gather(table, flat_idx, fwd, bwd, n_rows, D, CH):
    b_per_w = n_rows // _NW
    n_chunks = b_per_w // CH
    n_idx = fwd.shape[0]
    idx_per_w = n_idx // _NW
    mesh = plsc.VectorSubcoreMesh(core_axis_name="c", subcore_axis_name="s")

    @functools.partial(
        pl.kernel,
        mesh=mesh,
        out_type=[
            jax.ShapeDtypeStruct((n_rows, D), jnp.float32),
            jax.ShapeDtypeStruct((n_idx,), jnp.int32),
            jax.ShapeDtypeStruct((n_idx,), jnp.int32),
        ],
        scratch_types=[
            pltpu.VMEM((b_per_w,), jnp.int32),
            pltpu.VMEM((_NBUF, CH, D), jnp.float32),
            pltpu.SemaphoreType.DMA,
            pltpu.SemaphoreType.DMA,
            pltpu.SemaphoreType.DMA,
        ],
    )
    def k(table_hbm, idx_hbm, fwd_hbm, bwd_hbm, out_hbm, fwd_out, bwd_out,
          idx_v, rows_v, gsem, wsem, csem):
        wid = lax.axis_index("s") * _NC + lax.axis_index("c")
        base = wid * b_per_w

        islice = pl.ds(wid * idx_per_w, idx_per_w)
        pltpu.async_copy(fwd_hbm.at[islice], fwd_out.at[islice], csem)
        pltpu.async_copy(bwd_hbm.at[islice], bwd_out.at[islice], csem)

        pltpu.sync_copy(idx_hbm.at[pl.ds(base, b_per_w)], idx_v)

        def buf(i):
            return rows_v.at[i]

        def gather(c, b):
            pltpu.async_copy(
                table_hbm.at[idx_v.at[pl.ds(c * CH, CH)]], buf(b), gsem
            )

        def wait_gather(b):
            pltpu.make_async_copy(table_hbm.at[pl.ds(0, CH)], buf(b), gsem
                                  ).wait()

        def write(c, b):
            pltpu.async_copy(buf(b), out_hbm.at[pl.ds(base + c * CH, CH)],
                             wsem)

        def wait_write(b):
            pltpu.make_async_copy(buf(b), out_hbm.at[pl.ds(base, CH)], wsem
                                  ).wait()

        for b in range(_NBUF):
            gather(b, b)

        @pl.loop(0, n_chunks // _NBUF)
        def _(it):
            for b in range(_NBUF):
                c = it * _NBUF + b
                wait_gather(b)
                write(c, b)

                @pl.when(c + _NBUF < n_chunks)
                def _():
                    wait_write(b)
                    gather(c + _NBUF, b)

        for b in range(_NBUF):
            wait_write(b)
        pltpu.make_async_copy(fwd_hbm.at[islice], fwd_out.at[islice], csem
                              ).wait()
        pltpu.make_async_copy(bwd_hbm.at[islice], bwd_out.at[islice], csem
                              ).wait()

    return k(table, flat_idx, fwd, bwd)


def kernel(patches):
    T, B, C = patches.shape
    remain_T = int(T * (1 - _RATIO))
    f_np, b_np = _host_indexes(T, B)
    flat_idx = (f_np[:remain_T].astype(np.int64) * B
                + np.arange(B, dtype=np.int64)[None, :]).astype(np.int32)
    flat_idx = flat_idx.reshape(-1)

    table = patches.reshape(T * B, C)
    out_flat, f_out, b_out = _sc_gather(
        table,
        jnp.asarray(flat_idx),
        jnp.asarray(f_np.reshape(-1), dtype=jnp.int32),
        jnp.asarray(b_np.reshape(-1), dtype=jnp.int32),
        remain_T * B, C, 64)
    out = out_flat.reshape(remain_T, B, C)
    return out, f_out.reshape(T, B), b_out.reshape(T, B)

# --- scband reference (transcript-rebuilt; emitter-appended) ---
"""Pipeline reference for scband-patch-shuffle-67972152426612 (READ-ONLY COPY).

The authoritative reference and input builder live on the scoring server;
editing this copy changes nothing except your own understanding.
"""

import jax, jax.numpy as jnp
import numpy as np

RATIO = 0.75


def _make_indexes(T, B):
    # Deterministic stand-in for the module's np.random.shuffle per batch element
    rng = np.random.RandomState(0)
    fwd = []
    bwd = []
    for _ in range(B):
        p = rng.permutation(T)
        fwd.append(p)
        bwd.append(np.argsort(p))
    forward_indexes = np.stack(fwd, axis=-1)   # [T, B]
    backward_indexes = np.stack(bwd, axis=-1)  # [T, B]
    return forward_indexes, backward_indexes


def take_indexes(sequences, indexes):
    # sequences: [T, B, C], indexes: [Ti, B] -> gather along axis 0
    Ti, B = indexes.shape
    C = sequences.shape[-1]
    idx = jnp.broadcast_to(indexes[:, :, None], (Ti, B, C))
    return jnp.take_along_axis(sequences, idx, axis=0)


def setup_inputs(seed: int = 0) -> dict:
    key = jax.random.key(seed)
    patches = jax.random.normal(key, (1024, 128, 768), dtype=jnp.float32)
    return {"patches": patches}


def reference(patches):
    T, B, C = patches.shape
    remain_T = int(T * (1 - RATIO))
    f, b = _make_indexes(T, B)
    forward_indexes = jnp.asarray(f, dtype=jnp.int32)
    backward_indexes = jnp.asarray(b, dtype=jnp.int32)
    shuffled = take_indexes(patches, forward_indexes)
    out = shuffled[:remain_T]
    return out, forward_indexes, backward_indexes

if __name__ == "__main__":
    import jax
    _d = setup_inputs()
    print(jax.jit(kernel)(*tuple(_d.values())))

</pallas_src>

<mosaic_0001>
#map = affine_map<(d0, d1) -> (0, 0)>
#map1 = affine_map<(d0, d1) -> (0)>
module attributes {stable_mosaic.version = 14 : i64} {
  func.func @k(%arg0: i32, %arg1: i32, %arg2: memref<131072x768xf32, #tpu.memory_space<hbm>>, %arg3: memref<32768xi32, #tpu.memory_space<hbm>>, %arg4: memref<131072xi32, #tpu.memory_space<hbm>>, %arg5: memref<131072xi32, #tpu.memory_space<hbm>>, %arg6: memref<32768x768xf32, #tpu.memory_space<hbm>>, %arg7: memref<131072xi32, #tpu.memory_space<hbm>>, %arg8: memref<131072xi32, #tpu.memory_space<hbm>>, %arg9: memref<1024xi32, #tpu.memory_space<vmem>>, %arg10: memref<2x64x768xf32, #tpu.memory_space<vmem>>, %arg11: memref<!tpu.dma_semaphore, #tpu.memory_space<semaphore_mem>>, %arg12: memref<!tpu.dma_semaphore, #tpu.memory_space<semaphore_mem>>, %arg13: memref<!tpu.dma_semaphore, #tpu.memory_space<semaphore_mem>>) attributes {dimension_semantics = [#tpu.dimension_semantics<core_parallel>, #tpu.dimension_semantics<subcore_parallel>], iteration_bounds = array<i64: 2, 16>, scalar_prefetch = 0 : i64, scratch_operands = 5 : i64, tpu.core_type = #tpu.core_type<sc_vector_subcore>, window_params = [{transform_indices = #map}, {transform_indices = #map1}, {transform_indices = #map1}, {transform_indices = #map1}, {transform_indices = #map}, {transform_indices = #map1}, {transform_indices = #map1}]} {
    %mul3A = arith.constant 2 : i32
    %mul3A_0 = arith.muli %arg1, %mul3A : i32
    %add3A = arith.addi %mul3A_0, %arg0 : i32
    %mul3A_1 = arith.constant 1024 : i32
    %mul3A_2 = arith.muli %add3A, %mul3A_1 : i32
    %mul3A_3 = arith.constant 4096 : i32
    %mul3A_4 = arith.muli %add3A, %mul3A_3 : i32
    %dma_start3A = tpu.memref_slice %arg7[%mul3A_4] : memref<131072xi32, #tpu.memory_space<hbm>> -> memref<4096xi32, #tpu.memory_space<hbm>>
    %dma_start3A_5 = tpu.memref_slice %arg4[%mul3A_4] : memref<131072xi32, #tpu.memory_space<hbm>> -> memref<4096xi32, #tpu.memory_space<hbm>>
    tpu.enqueue_dma source(%dma_start3A_5 : memref<4096xi32, #tpu.memory_space<hbm>>) target(%dma_start3A : memref<4096xi32, #tpu.memory_space<hbm>>) target_semaphore(%arg13 : memref<!tpu.dma_semaphore, #tpu.memory_space<semaphore_mem>>)
    %dma_start3A_6 = tpu.memref_slice %arg8[%mul3A_4] : memref<131072xi32, #tpu.memory_space<hbm>> -> memref<4096xi32, #tpu.memory_space<hbm>>
    %dma_start3A_7 = tpu.memref_slice %arg5[%mul3A_4] : memref<131072xi32, #tpu.memory_space<hbm>> -> memref<4096xi32, #tpu.memory_space<hbm>>
    tpu.enqueue_dma source(%dma_start3A_7 : memref<4096xi32, #tpu.memory_space<hbm>>) target(%dma_start3A_6 : memref<4096xi32, #tpu.memory_space<hbm>>) target_semaphore(%arg13 : memref<!tpu.dma_semaphore, #tpu.memory_space<semaphore_mem>>)
    "tpu.region"() ({
      %run_scoped3A = tpu.sem_alloc : memref<!tpu.dma_semaphore, #tpu.memory_space<semaphore_mem>>
      %dma_start3A_61 = tpu.memref_slice %arg3[%mul3A_2] : memref<32768xi32, #tpu.memory_space<hbm>> -> memref<1024xi32, #tpu.memory_space<hbm>>
      %dma_start3A_62 = tpu.memref_slice %arg3[%mul3A_2] : memref<32768xi32, #tpu.memory_space<hbm>> -> memref<1024xi32, #tpu.memory_space<hbm>>
      tpu.enqueue_dma source(%dma_start3A_62 : memref<1024xi32, #tpu.memory_space<hbm>>) target(%arg9 : memref<1024xi32, #tpu.memory_space<vmem>>) target_semaphore(%run_scoped3A : memref<!tpu.dma_semaphore, #tpu.memory_space<semaphore_mem>>)
      %dma_wait3A_63 = tpu.memref_slice %arg3[%mul3A_2] : memref<32768xi32, #tpu.memory_space<hbm>> -> memref<1024xi32, #tpu.memory_space<hbm>>
      %dma_wait3A_64 = tpu.memref_slice %arg3[%mul3A_2] : memref<32768xi32, #tpu.memory_space<hbm>> -> memref<1024xi32, #tpu.memory_space<hbm>>
      tpu.wait_dma2 semaphore(%run_scoped3A : memref<!tpu.dma_semaphore, #tpu.memory_space<semaphore_mem>>) src(%dma_wait3A_64 : memref<1024xi32, #tpu.memory_space<hbm>>) dst(%arg9 : memref<1024xi32, #tpu.memory_space<vmem>>)
      tpu.yield
    }) : () -> ()
    %dma_start3A_8 = arith.constant 0 : i32
    %dma_start3A_9 = arith.constant 0 : i32
    %dma_start3A_10 = arith.constant 0 : i32
    %dma_start3A_11 = tpu.memref_slice %arg10[%dma_start3A_8, %dma_start3A_9, %dma_start3A_10] : memref<2x64x768xf32, #tpu.memory_space<vmem>> -> memref<1x64x768xf32, #tpu.memory_space<vmem>>
    %dma_start3A_12 = tpu.memref_squeeze %dma_start3A_11 : memref<1x64x768xf32, #tpu.memory_space<vmem>> -> memref<64x768xf32, #tpu.memory_space<vmem>>
    %dma_start3A_13 = arith.constant 0 : i32
    %dma_start3A_14 = tpu.memref_slice %arg9[%dma_start3A_13] : memref<1024xi32, #tpu.memory_space<vmem>> -> memref<64xi32, #tpu.memory_space<vmem>>
    %dma_start3A_15 = arith.constant 0 : i32
    %dma_start3A_16 = arith.constant 0 : i32
    %dma_start3A_17 = tpu.memref_slice %arg2[%dma_start3A_15, %dma_start3A_16] : memref<131072x768xf32, #tpu.memory_space<hbm>> -> memref<131072x768xf32, #tpu.memory_space<hbm>>
    tpu.enqueue_indirect_dma source(%dma_start3A_17 : memref<131072x768xf32, #tpu.memory_space<hbm>>) target(%dma_start3A_12 : memref<64x768xf32, #tpu.memory_space<vmem>>) offsets(%dma_start3A_14 : memref<64xi32, #tpu.memory_space<vmem>>) semaphore(%arg11 : memref<!tpu.dma_semaphore, #tpu.memory_space<semaphore_mem>>)
    %dma_start3A_18 = arith.constant 1 : i32
    %dma_start3A_19 = arith.constant 0 : i32
    %dma_start3A_20 = arith.constant 0 : i32
    %dma_start3A_21 = tpu.memref_slice %arg10[%dma_start3A_18, %dma_start3A_19, %dma_start3A_20] : memref<2x64x768xf32, #tpu.memory_space<vmem>> -> memref<1x64x768xf32, #tpu.memory_space<vmem>>
    %dma_start3A_22 = tpu.memref_squeeze %dma_start3A_21 : memref<1x64x768xf32, #tpu.memory_space<vmem>> -> memref<64x768xf32, #tpu.memory_space<vmem>>
    %dma_start3A_23 = arith.constant 64 : i32
    %dma_start3A_24 = tpu.memref_slice %arg9[%dma_start3A_23] : memref<1024xi32, #tpu.memory_space<vmem>> -> memref<64xi32, #tpu.memory_space<vmem>>
    %dma_start3A_25 = arith.constant 0 : i32
    %dma_start3A_26 = arith.constant 0 : i32
    %dma_start3A_27 = tpu.memref_slice %arg2[%dma_start3A_25, %dma_start3A_26] : memref<131072x768xf32, #tpu.memory_space<hbm>> -> memref<131072x768xf32, #tpu.memory_space<hbm>>
    tpu.enqueue_indirect_dma source(%dma_start3A_27 : memref<131072x768xf32, #tpu.memory_space<hbm>>) target(%dma_start3A_22 : memref<64x768xf32, #tpu.memory_space<vmem>>) offsets(%dma_start3A_24 : memref<64xi32, #tpu.memory_space<vmem>>) semaphore(%arg11 : memref<!tpu.dma_semaphore, #tpu.memory_space<semaphore_mem>>)
    %scan3A = arith.constant 0 : i32
    %scan3A_28 = arith.constant 8 : i32
    %scan3A_29 = arith.addi %scan3A, %scan3A_28 : i32
    %scan3A_30 = arith.constant 1 : i32
    scf.for %scan3A_61 = %scan3A to %scan3A_29 step %scan3A_30  : i32 {
      %mul3A_62 = arith.constant 1 : i32
      %mul3A_63 = arith.muli %scan3A_61, %mul3A_62 : i32
      %add3A_64 = arith.constant 0 : i32
      %add3A_65 = arith.addi %add3A_64, %mul3A_63 : i32
      %mul3A_66 = arith.constant 2 : i32
      %mul3A_67 = arith.muli %add3A_65, %mul3A_66 : i32
      %add3A_68 = arith.constant 0 : i32
      %add3A_69 = arith.addi %mul3A_67, %add3A_68 : i32
      %dma_wait3A_70 = arith.constant 0 : i32
      %dma_wait3A_71 = arith.constant 0 : i32
      %dma_wait3A_72 = arith.constant 0 : i32
      %dma_wait3A_73 = tpu.memref_slice %arg10[%dma_wait3A_70, %dma_wait3A_71, %dma_wait3A_72] : memref<2x64x768xf32, #tpu.memory_space<vmem>> -> memref<1x64x768xf32, #tpu.memory_space<vmem>>
      %dma_wait3A_74 = tpu.memref_squeeze %dma_wait3A_73 : memref<1x64x768xf32, #tpu.memory_space<vmem>> -> memref<64x768xf32, #tpu.memory_space<vmem>>
      %dma_wait3A_75 = arith.constant 0 : i32
      %dma_wait3A_76 = arith.constant 0 : i32
      %dma_wait3A_77 = tpu.memref_slice %arg2[%dma_wait3A_75, %dma_wait3A_76] : memref<131072x768xf32, #tpu.memory_space<hbm>> -> memref<64x768xf32, #tpu.memory_space<hbm>>
      %dma_wait3A_78 = arith.constant 0 : i32
      %dma_wait3A_79 = arith.constant 0 : i32
      %dma_wait3A_80 = tpu.memref_slice %arg10[%dma_wait3A_70, %dma_wait3A_78, %dma_wait3A_79] : memref<2x64x768xf32, #tpu.memory_space<vmem>> -> memref<1x64x768xf32, #tpu.memory_space<vmem>>
      %dma_wait3A_81 = tpu.memref_squeeze %dma_wait3A_80 : memref<1x64x768xf32, #tpu.memory_space<vmem>> -> memref<64x768xf32, #tpu.memory_space<vmem>>
      %dma_wait3A_82 = arith.constant 0 : i32
      %dma_wait3A_83 = arith.constant 0 : i32
      %dma_wait3A_84 = tpu.memref_slice %arg2[%dma_wait3A_82, %dma_wait3A_83] : memref<131072x768xf32, #tpu.memory_space<hbm>> -> memref<64x768xf32, #tpu.memory_space<hbm>>
      tpu.wait_dma2 semaphore(%arg11 : memref<!tpu.dma_semaphore, #tpu.memory_space<semaphore_mem>>) src(%dma_wait3A_84 : memref<64x768xf32, #tpu.memory_space<hbm>>) dst(%dma_wait3A_81 : memref<64x768xf32, #tpu.memory_space<vmem>>)
      %mul3A_85 = arith.constant 64 : i32
      %mul3A_86 = arith.muli %add3A_69, %mul3A_85 : i32
      %add3A_87 = arith.addi %mul3A_2, %mul3A_86 : i32
      %dma_start3A_88 = arith.constant 0 : i32
      %dma_start3A_89 = arith.constant 0 : i32
      %dma_start3A_90 = arith.constant 0 : i32
      %dma_start3A_91 = tpu.memref_slice %arg10[%dma_start3A_88, %dma_start3A_89, %dma_start3A_90] : memref<2x64x768xf32, #tpu.memory_space<vmem>> -> memref<1x64x768xf32, #tpu.memory_space<vmem>>
      %dma_start3A_92 = tpu.memref_squeeze %dma_start3A_91 : memref<1x64x768xf32, #tpu.memory_space<vmem>> -> memref<64x768xf32, #tpu.memory_space<vmem>>
      %dma_start3A_93 = arith.constant 0 : i32
      %dma_start3A_94 = tpu.memref_slice %arg6[%add3A_87, %dma_start3A_93] : memref<32768x768xf32, #tpu.memory_space<hbm>> -> memref<64x768xf32, #tpu.memory_space<hbm>>
      %dma_start3A_95 = arith.constant 0 : i32
      %dma_start3A_96 = tpu.memref_slice %arg6[%add3A_87, %dma_start3A_95] : memref<32768x768xf32, #tpu.memory_space<hbm>> -> memref<64x768xf32, #tpu.memory_space<hbm>>
      %dma_start3A_97 = arith.constant 0 : i32
      %dma_start3A_98 = arith.constant 0 : i32
      %dma_start3A_99 = tpu.memref_slice %arg10[%dma_start3A_88, %dma_start3A_97, %dma_start3A_98] : memref<2x64x768xf32, #tpu.memory_space<vmem>> -> memref<1x64x768xf32, #tpu.memory_space<vmem>>
      %dma_start3A_100 = tpu.memref_squeeze %dma_start3A_99 : memref<1x64x768xf32, #tpu.memory_space<vmem>> -> memref<64x768xf32, #tpu.memory_space<vmem>>
      tpu.enqueue_dma source(%dma_start3A_100 : memref<64x768xf32, #tpu.memory_space<vmem>>) target(%dma_start3A_96 : memref<64x768xf32, #tpu.memory_space<hbm>>) target_semaphore(%arg12 : memref<!tpu.dma_semaphore, #tpu.memory_space<semaphore_mem>>)
      %add3A_101 = arith.constant 2 : i32
      %add3A_102 = arith.addi %add3A_69, %add3A_101 : i32
      %lt3A = arith.constant 16 : i32
      %lt3A_103 = arith.cmpi slt, %add3A_102, %lt3A : i32
      %convert_element_type3A = arith.extui %lt3A_103 : i1 to i32
      %cond3A = arith.constant 0 : i32
      %cond3A_104 = arith.cmpi ne, %convert_element_type3A, %cond3A : i32
      scf.if %cond3A_104 {
        %dma_wait3A_147 = arith.constant 0 : i32
        %dma_wait3A_148 = arith.constant 0 : i32
        %dma_wait3A_149 = arith.constant 0 : i32
        %dma_wait3A_150 = tpu.memref_slice %arg10[%dma_wait3A_147, %dma_wait3A_148, %dma_wait3A_149] : memref<2x64x768xf32, #tpu.memory_space<vmem>> -> memref<1x64x768xf32, #tpu.memory_space<vmem>>
        %dma_wait3A_151 = tpu.memref_squeeze %dma_wait3A_150 : memref<1x64x768xf32, #tpu.memory_space<vmem>> -> memref<64x768xf32, #tpu.memory_space<vmem>>
        %dma_wait3A_152 = arith.constant 0 : i32
        %dma_wait3A_153 = tpu.memref_slice %arg6[%mul3A_2, %dma_wait3A_152] : memref<32768x768xf32, #tpu.memory_space<hbm>> -> memref<64x768xf32, #tpu.memory_space<hbm>>
        %dma_wait3A_154 = arith.constant 0 : i32
        %dma_wait3A_155 = tpu.memref_slice %arg6[%mul3A_2, %dma_wait3A_154] : memref<32768x768xf32, #tpu.memory_space<hbm>> -> memref<64x768xf32, #tpu.memory_space<hbm>>
        %dma_wait3A_156 = arith.constant 0 : i32
        %dma_wait3A_157 = arith.constant 0 : i32
        %dma_wait3A_158 = tpu.memref_slice %arg10[%dma_wait3A_147, %dma_wait3A_156, %dma_wait3A_157] : memref<2x64x768xf32, #tpu.memory_space<vmem>> -> memref<1x64x768xf32, #tpu.memory_space<vmem>>
        %dma_wait3A_159 = tpu.memref_squeeze %dma_wait3A_158 : memref<1x64x768xf32, #tpu.memory_space<vmem>> -> memref<64x768xf32, #tpu.memory_space<vmem>>
        tpu.wait_dma2 semaphore(%arg12 : memref<!tpu.dma_semaphore, #tpu.memory_space<semaphore_mem>>) src(%dma_wait3A_159 : memref<64x768xf32, #tpu.memory_space<vmem>>) dst(%dma_wait3A_155 : memref<64x768xf32, #tpu.memory_space<hbm>>)
        %add3A_160 = arith.constant 2 : i32
        %add3A_161 = arith.addi %add3A_69, %add3A_160 : i32
        %mul3A_162 = arith.constant 64 : i32
        %mul3A_163 = arith.muli %add3A_161, %mul3A_162 : i32
        %dma_start3A_164 = arith.constant 0 : i32
        %dma_start3A_165 = arith.constant 0 : i32
        %dma_start3A_166 = arith.constant 0 : i32
        %dma_start3A_167 = tpu.memref_slice %arg10[%dma_start3A_164, %dma_start3A_165, %dma_start3A_166] : memref<2x64x768xf32, #tpu.memory_space<vmem>> -> memref<1x64x768xf32, #tpu.memory_space<vmem>>
        %dma_start3A_168 = tpu.memref_squeeze %dma_start3A_167 : memref<1x64x768xf32, #tpu.memory_space<vmem>> -> memref<64x768xf32, #tpu.memory_space<vmem>>
        %dma_start3A_169 = tpu.memref_slice %arg9[%mul3A_163] : memref<1024xi32, #tpu.memory_space<vmem>> -> memref<64xi32, #tpu.memory_space<vmem>>
        %dma_start3A_170 = arith.constant 0 : i32
        %dma_start3A_171 = arith.constant 0 : i32
        %dma_start3A_172 = tpu.memref_slice %arg2[%dma_start3A_170, %dma_start3A_171] : memref<131072x768xf32, #tpu.memory_space<hbm>> -> memref<131072x768xf32, #tpu.memory_space<hbm>>
        tpu.enqueue_indirect_dma source(%dma_start3A_172 : memref<131072x768xf32, #tpu.memory_space<hbm>>) target(%dma_start3A_168 : memref<64x768xf32, #tpu.memory_space<vmem>>) offsets(%dma_start3A_169 : memref<64xi32, #tpu.memory_space<vmem>>) semaphore(%arg11 : memref<!tpu.dma_semaphore, #tpu.memory_space<semaphore_mem>>)
      } else {
      }
      %mul3A_105 = arith.constant 2 : i32
      %mul3A_106 = arith.muli %add3A_65, %mul3A_105 : i32
      %add3A_107 = arith.constant 1 : i32
      %add3A_108 = arith.addi %mul3A_106, %add3A_107 : i32
      %dma_wait3A_109 = arith.constant 1 : i32
      %dma_wait3A_110 = arith.constant 0 : i32
      %dma_wait3A_111 = arith.constant 0 : i32
      %dma_wait3A_112 = tpu.memref_slice %arg10[%dma_wait3A_109, %dma_wait3A_110, %dma_wait3A_111] : memref<2x64x768xf32, #tpu.memory_space<vmem>> -> memref<1x64x768xf32, #tpu.memory_space<vmem>>
      %dma_wait3A_113 = tpu.memref_squeeze %dma_wait3A_112 : memref<1x64x768xf32, #tpu.memory_space<vmem>> -> memref<64x768xf32, #tpu.memory_space<vmem>>
      %dma_wait3A_114 = arith.constant 0 : i32
      %dma_wait3A_115 = arith.constant 0 : i32
      %dma_wait3A_116 = tpu.memref_slice %arg2[%dma_wait3A_114, %dma_wait3A_115] : memref<131072x768xf32, #tpu.memory_space<hbm>> -> memref<64x768xf32, #tpu.memory_space<hbm>>
      %dma_wait3A_117 = arith.constant 0 : i32
      %dma_wait3A_118 = arith.constant 0 : i32
      %dma_wait3A_119 = tpu.memref_slice %arg10[%dma_wait3A_109, %dma_wait3A_117, %dma_wait3A_118] : memref<2x64x768xf32, #tpu.memory_space<vmem>> -> memref<1x64x768xf32, #tpu.memory_space<vmem>>
      %dma_wait3A_120 = tpu.memref_squeeze %dma_wait3A_119 : memref<1x64x768xf32, #tpu.memory_space<vmem>> -> memref<64x768xf32, #tpu.memory_space<vmem>>
      %dma_wait3A_121 = arith.constant 0 : i32
      %dma_wait3A_122 = arith.constant 0 : i32
      %dma_wait3A_123 = tpu.memref_slice %arg2[%dma_wait3A_121, %dma_wait3A_122] : memref<131072x768xf32, #tpu.memory_space<hbm>> -> memref<64x768xf32, #tpu.memory_space<hbm>>
      tpu.wait_dma2 semaphore(%arg11 : memref<!tpu.dma_semaphore, #tpu.memory_space<semaphore_mem>>) src(%dma_wait3A_123 : memref<64x768xf32, #tpu.memory_space<hbm>>) dst(%dma_wait3A_120 : memref<64x768xf32, #tpu.memory_space<vmem>>)
      %mul3A_124 = arith.constant 64 : i32
      %mul3A_125 = arith.muli %add3A_108, %mul3A_124 : i32
      %add3A_126 = arith.addi %mul3A_2, %mul3A_125 : i32
      %dma_start3A_127 = arith.constant 1 : i32
      %dma_start3A_128 = arith.constant 0 : i32
      %dma_start3A_129 = arith.constant 0 : i32
      %dma_start3A_130 = tpu.memref_slice %arg10[%dma_start3A_127, %dma_start3A_128, %dma_start3A_129] : memref<2x64x768xf32, #tpu.memory_space<vmem>> -> memref<1x64x768xf32, #tpu.memory_space<vmem>>
      %dma_start3A_131 = tpu.memref_squeeze %dma_start3A_130 : memref<1x64x768xf32, #tpu.memory_space<vmem>> -> memref<64x768xf32, #tpu.memory_space<vmem>>
      %dma_start3A_132 = arith.constant 0 : i32
      %dma_start3A_133 = tpu.memref_slice %arg6[%add3A_126, %dma_start3A_132] : memref<32768x768xf32, #tpu.memory_space<hbm>> -> memref<64x768xf32, #tpu.memory_space<hbm>>
      %dma_start3A_134 = arith.constant 0 : i32
      %dma_start3A_135 = tpu.memref_slice %arg6[%add3A_126, %dma_start3A_134] : memref<32768x768xf32, #tpu.memory_space<hbm>> -> memref<64x768xf32, #tpu.memory_space<hbm>>
      %dma_start3A_136 = arith.constant 0 : i32
      %dma_start3A_137 = arith.constant 0 : i32
      %dma_start3A_138 = tpu.memref_slice %arg10[%dma_start3A_127, %dma_start3A_136, %dma_start3A_137] : memref<2x64x768xf32, #tpu.memory_space<vmem>> -> memref<1x64x768xf32, #tpu.memory_space<vmem>>
      %dma_start3A_139 = tpu.memref_squeeze %dma_start3A_138 : memref<1x64x768xf32, #tpu.memory_space<vmem>> -> memref<64x768xf32, #tpu.memory_space<vmem>>
      tpu.enqueue_dma source(%dma_start3A_139 : memref<64x768xf32, #tpu.memory_space<vmem>>) target(%dma_start3A_135 : memref<64x768xf32, #tpu.memory_space<hbm>>) target_semaphore(%arg12 : memref<!tpu.dma_semaphore, #tpu.memory_space<semaphore_mem>>)
      %add3A_140 = arith.constant 2 : i32
      %add3A_141 = arith.addi %add3A_108, %add3A_140 : i32
      %lt3A_142 = arith.constant 16 : i32
      %lt3A_143 = arith.cmpi slt, %add3A_141, %lt3A_142 : i32
      %convert_element_type3A_144 = arith.extui %lt3A_143 : i1 to i32
      %cond3A_145 = arith.constant 0 : i32
      %cond3A_146 = arith.cmpi ne, %convert_element_type3A_144, %cond3A_145 : i32
      scf.if %cond3A_146 {
        %dma_wait3A_147 = arith.constant 1 : i32
        %dma_wait3A_148 = arith.constant 0 : i32
        %dma_wait3A_149 = arith.constant 0 : i32
        %dma_wait3A_150 = tpu.memref_slice %arg10[%dma_wait3A_147, %dma_wait3A_148, %dma_wait3A_149] : memref<2x64x768xf32, #tpu.memory_space<vmem>> -> memref<1x64x768xf32, #tpu.memory_space<vmem>>
        %dma_wait3A_151 = tpu.memref_squeeze %dma_wait3A_150 : memref<1x64x768xf32, #tpu.memory_space<vmem>> -> memref<64x768xf32, #tpu.memory_space<vmem>>
        %dma_wait3A_152 = arith.constant 0 : i32
        %dma_wait3A_153 = tpu.memref_slice %arg6[%mul3A_2, %dma_wait3A_152] : memref<32768x768xf32, #tpu.memory_space<hbm>> -> memref<64x768xf32, #tpu.memory_space<hbm>>
        %dma_wait3A_154 = arith.constant 0 : i32
        %dma_wait3A_155 = tpu.memref_slice %arg6[%mul3A_2, %dma_wait3A_154] : memref<32768x768xf32, #tpu.memory_space<hbm>> -> memref<64x768xf32, #tpu.memory_space<hbm>>
        %dma_wait3A_156 = arith.constant 0 : i32
        %dma_wait3A_157 = arith.constant 0 : i32
        %dma_wait3A_158 = tpu.memref_slice %arg10[%dma_wait3A_147, %dma_wait3A_156, %dma_wait3A_157] : memref<2x64x768xf32, #tpu.memory_space<vmem>> -> memref<1x64x768xf32, #tpu.memory_space<vmem>>
        %dma_wait3A_159 = tpu.memref_squeeze %dma_wait3A_158 : memref<1x64x768xf32, #tpu.memory_space<vmem>> -> memref<64x768xf32, #tpu.memory_space<vmem>>
        tpu.wait_dma2 semaphore(%arg12 : memref<!tpu.dma_semaphore, #tpu.memory_space<semaphore_mem>>) src(%dma_wait3A_159 : memref<64x768xf32, #tpu.memory_space<vmem>>) dst(%dma_wait3A_155 : memref<64x768xf32, #tpu.memory_space<hbm>>)
        %add3A_160 = arith.constant 2 : i32
        %add3A_161 = arith.addi %add3A_108, %add3A_160 : i32
        %mul3A_162 = arith.constant 64 : i32
        %mul3A_163 = arith.muli %add3A_161, %mul3A_162 : i32
        %dma_start3A_164 = arith.constant 1 : i32
        %dma_start3A_165 = arith.constant 0 : i32
        %dma_start3A_166 = arith.constant 0 : i32
        %dma_start3A_167 = tpu.memref_slice %arg10[%dma_start3A_164, %dma_start3A_165, %dma_start3A_166] : memref<2x64x768xf32, #tpu.memory_space<vmem>> -> memref<1x64x768xf32, #tpu.memory_space<vmem>>
        %dma_start3A_168 = tpu.memref_squeeze %dma_start3A_167 : memref<1x64x768xf32, #tpu.memory_space<vmem>> -> memref<64x768xf32, #tpu.memory_space<vmem>>
        %dma_start3A_169 = tpu.memref_slice %arg9[%mul3A_163] : memref<1024xi32, #tpu.memory_space<vmem>> -> memref<64xi32, #tpu.memory_space<vmem>>
        %dma_start3A_170 = arith.constant 0 : i32
        %dma_start3A_171 = arith.constant 0 : i32
        %dma_start3A_172 = tpu.memref_slice %arg2[%dma_start3A_170, %dma_start3A_171] : memref<131072x768xf32, #tpu.memory_space<hbm>> -> memref<131072x768xf32, #tpu.memory_space<hbm>>
        tpu.enqueue_indirect_dma source(%dma_start3A_172 : memref<131072x768xf32, #tpu.memory_space<hbm>>) target(%dma_start3A_168 : memref<64x768xf32, #tpu.memory_space<vmem>>) offsets(%dma_start3A_169 : memref<64xi32, #tpu.memory_space<vmem>>) semaphore(%arg11 : memref<!tpu.dma_semaphore, #tpu.memory_space<semaphore_mem>>)
      } else {
      }
    }
    %scan3A_31 = arith.constant 8 : i32
    %dma_wait3A = arith.constant 0 : i32
    %dma_wait3A_32 = arith.constant 0 : i32
    %dma_wait3A_33 = arith.constant 0 : i32
    %dma_wait3A_34 = tpu.memref_slice %arg10[%dma_wait3A, %dma_wait3A_32, %dma_wait3A_33] : memref<2x64x768xf32, #tpu.memory_space<vmem>> -> memref<1x64x768xf32, #tpu.memory_space<vmem>>
    %dma_wait3A_35 = tpu.memref_squeeze %dma_wait3A_34 : memref<1x64x768xf32, #tpu.memory_space<vmem>> -> memref<64x768xf32, #tpu.memory_space<vmem>>
    %dma_wait3A_36 = arith.constant 0 : i32
    %dma_wait3A_37 = tpu.memref_slice %arg6[%mul3A_2, %dma_wait3A_36] : memref<32768x768xf32, #tpu.memory_space<hbm>> -> memref<64x768xf32, #tpu.memory_space<hbm>>
    %dma_wait3A_38 = arith.constant 0 : i32
    %dma_wait3A_39 = tpu.memref_slice %arg6[%mul3A_2, %dma_wait3A_38] : memref<32768x768xf32, #tpu.memory_space<hbm>> -> memref<64x768xf32, #tpu.memory_space<hbm>>
    %dma_wait3A_40 = arith.constant 0 : i32
    %dma_wait3A_41 = arith.constant 0 : i32
    %dma_wait3A_42 = tpu.memref_slice %arg10[%dma_wait3A, %dma_wait3A_40, %dma_wait3A_41] : memref<2x64x768xf32, #tpu.memory_space<vmem>> -> memref<1x64x768xf32, #tpu.memory_space<vmem>>
    %dma_wait3A_43 = tpu.memref_squeeze %dma_wait3A_42 : memref<1x64x768xf32, #tpu.memory_space<vmem>> -> memref<64x768xf32, #tpu.memory_space<vmem>>
    tpu.wait_dma2 semaphore(%arg12 : memref<!tpu.dma_semaphore, #tpu.memory_space<semaphore_mem>>) src(%dma_wait3A_43 : memref<64x768xf32, #tpu.memory_space<vmem>>) dst(%dma_wait3A_39 : memref<64x768xf32, #tpu.memory_space<hbm>>)
    %dma_wait3A_44 = arith.constant 1 : i32
    %dma_wait3A_45 = arith.constant 0 : i32
    %dma_wait3A_46 = arith.constant 0 : i32
    %dma_wait3A_47 = tpu.memref_slice %arg10[%dma_wait3A_44, %dma_wait3A_45, %dma_wait3A_46] : memref<2x64x768xf32, #tpu.memory_space<vmem>> -> memref<1x64x768xf32, #tpu.memory_space<vmem>>
    %dma_wait3A_48 = tpu.memref_squeeze %dma_wait3A_47 : memref<1x64x768xf32, #tpu.memory_space<vmem>> -> memref<64x768xf32, #tpu.memory_space<vmem>>
    %dma_wait3A_49 = arith.constant 0 : i32
    %dma_wait3A_50 = tpu.memref_slice %arg6[%mul3A_2, %dma_wait3A_49] : memref<32768x768xf32, #tpu.memory_space<hbm>> -> memref<64x768xf32, #tpu.memory_space<hbm>>
    %dma_wait3A_51 = arith.constant 0 : i32
    %dma_wait3A_52 = tpu.memref_slice %arg6[%mul3A_2, %dma_wait3A_51] : memref<32768x768xf32, #tpu.memory_space<hbm>> -> memref<64x768xf32, #tpu.memory_space<hbm>>
    %dma_wait3A_53 = arith.constant 0 : i32
    %dma_wait3A_54 = arith.constant 0 : i32
    %dma_wait3A_55 = tpu.memref_slice %arg10[%dma_wait3A_44, %dma_wait3A_53, %dma_wait3A_54] : memref<2x64x768xf32, #tpu.memory_space<vmem>> -> memref<1x64x768xf32, #tpu.memory_space<vmem>>
    %dma_wait3A_56 = tpu.memref_squeeze %dma_wait3A_55 : memref<1x64x768xf32, #tpu.memory_space<vmem>> -> memref<64x768xf32, #tpu.memory_space<vmem>>
    tpu.wait_dma2 semaphore(%arg12 : memref<!tpu.dma_semaphore, #tpu.memory_space<semaphore_mem>>) src(%dma_wait3A_56 : memref<64x768xf32, #tpu.memory_space<vmem>>) dst(%dma_wait3A_52 : memref<64x768xf32, #tpu.memory_space<hbm>>)
    %dma_wait3A_57 = tpu.memref_slice %arg7[%mul3A_4] : memref<131072xi32, #tpu.memory_space<hbm>> -> memref<4096xi32, #tpu.memory_space<hbm>>
    %dma_wait3A_58 = tpu.memref_slice %arg4[%mul3A_4] : memref<131072xi32, #tpu.memory_space<hbm>> -> memref<4096xi32, #tpu.memory_space<hbm>>
    tpu.wait_dma2 semaphore(%arg13 : memref<!tpu.dma_semaphore, #tpu.memory_space<semaphore_mem>>) src(%dma_wait3A_58 : memref<4096xi32, #tpu.memory_space<hbm>>) dst(%dma_wait3A_57 : memref<4096xi32, #tpu.memory_space<hbm>>)
    %dma_wait3A_59 = tpu.memref_slice %arg8[%mul3A_4] : memref<131072xi32, #tpu.memory_space<hbm>> -> memref<4096xi32, #tpu.memory_space<hbm>>
    %dma_wait3A_60 = tpu.memref_slice %arg5[%mul3A_4] : memref<131072xi32, #tpu.memory_space<hbm>> -> memref<4096xi32, #tpu.memory_space<hbm>>
    tpu.wait_dma2 semaphore(%arg13 : memref<!tpu.dma_semaphore, #tpu.memory_space<semaphore_mem>>) src(%dma_wait3A_60 : memref<4096xi32, #tpu.memory_space<hbm>>) dst(%dma_wait3A_59 : memref<4096xi32, #tpu.memory_space<hbm>>)
    return
  }
}

</mosaic_0001>

<sc_bundles>
// kernel: kernel.3.cloned.1.call-start
scs
__scs_entry_jumppad:
0x0: {  	(pc) =	sbr.rel $0x88, $3  }
0x1: {  	(tag) =	ssettag $0x0;
	lr =	simm.s32 $0x1  }
0x2: {  	[smem:$0x3FA0] =	sst lr;
	_ =	strace $0xD0000000  }
0x3: {  	_ = 	snop  }
0x4: {  	_ = 	snop  }
0x5: {  	_ = 	snop  }
0x6: {  	_ = 	snop  }
0x7: {  	_ = 	snop  }
__scs_overlays_trampoline_lowered:
0x8: {  	[smem:$0x3FAF] =	sst s0  }
0x9: {  	[smem:$0x3FB0] =	sst s1  }
0xa: {  	[smem:$0x3FB1] =	sst s2  }
0xb: {  	[smem:$0x3FB2] =	sst s3  }
0xc: {  	[smem:$0x3FB3] =	sst s4  }
0xd: {  	[smem:$0x3FB4] =	sst s5  }
0xe: {  	[smem:$0x3FB5] =	sst s6  }
0xf: {  	[smem:$0x3FB6] =	sst s7  }
0x10: {  	[smem:$0x3FB7] =	sst s8  }
0x11: {  	[smem:$0x3FB8] =	sst s9;
	s0 =	simm.s32 @!p0 $0x0  }
0x12: {  	s1 =	sld [smem:$0x3F9E];
	s0 =	simm.s32 @p0 $0x1  }
0x13: {  	[smem:$0x3FB9] =	sst s0;
	s0 =	simm.s32 @!p1 $0x0  }
0x14: {  	s2 =	sld [smem:$0x3F9D];
	s0 =	simm.s32 @p1 $0x1  }
0x15: {  	[smem:$0x3FBA] =	sst s0;
	s0 =	simm.s32 @!p2 $0x0  }
0x16: {  	s3 =	sld [smem:$0x3FDB];
	s0 =	simm.s32 @p2 $0x1  }
0x17: {  	s4 =	simm.s32 $0x1BF5;
	[smem:$0x3FBC] =	sst s0  }
0x18: {  	s0 =	sld [smem:$0x3F9F];
	_ =	swait.ge [sflag:s4], $0x0  }
0x19: {  	s7 =	sld [smem:$0x3FA0]  }
0x1a: {  	s8 =	sadd.s32 $0xFFFFE003, lr  }
0x1b: {  	s9 =	sadd.s32 $0xFFFFFEF7, lr;
	s5 =	simm.s32 $0xFFFFFFFF;
	p2 =	slt.u32 s8, $0xFFFFF086  }
0x1c: {  	p1 =	slt.u32 s9, $0xF7A;
	s5 =	simm.s32 @!p2 $0x0  }
0x1d: {  	s5 =	simm.s32 @p1 $0x1;
	p0 =	seq.s32 s7, s2  }
0x1e: {  	s7 =	smul.u32 @!p0 $0xF7A, s2;
	p2 =	seq.s32 @!p0 s5, $0x0  }
0x1f: {  	s9 =	smul.u32 $0xF7A, s1;
	s8 =	simm.s32 @!p0 $0x1BF5;
	p2 =	por !p2, p0  }
0x20: {  	[sflag:s8] =	ssyncset.s32 @!p0 $0xFFFFF086;
	s6 =	sadd.s32 @!p0 s3, s7;
	s7 =	simm.s32 @!p0 $0x108  }
0x21: {  	s3 =	sadd.s32 s3, s9;
	s6 =	sadd.s32 @!p0 $0x88, s6;
	s7 =	simm.s32 @p2 $0x1082  }
0x22: {  	[simem:s7], [sflag:s8] =	dma.local @!p0 [hbm:s6], $0xF7A  }
0x23: {  	s9 =	sor.u32 $0xD0000000, s2;
	s6 =	simm.s32 $0x108;
	_ =	swait.ge @!p0 [sflag:s8], $0x0  }
0x24: {  	s3 =	sadd.s32 $0x88, s3;
	s6 =	simm.s32 @!p1 $0x1082;
	[sflag:s4] =	ssyncset.s32 $0xFFFFF086  }
0x25: {  	[simem:s6], [sflag:s4] =	dma.local [hbm:s3], $0xF7A  }
0x26: {  	[smem:$0x3FA0] =	sst s1;
	(tag) =	ssettag s2;
	_ =	strace s9  }
0x27: {  	s1 =	sld [smem:$0x3FB0]  }
0x28: {  	s2 =	sld [smem:$0x3FB1]  }
0x29: {  	s4 =	sld [smem:$0x3FB3]  }
0x2a: {  	p0 =	seq.s32 s5, $0x0;
	s5 =	sld [smem:$0x3FB4]  }
0x2b: {  	s6 =	sld [smem:$0x3FB5]  }
0x2c: {  	s7 =	sld [smem:$0x3FB6]  }
0x2d: {  	s3 =	simm.s32 $0x108;
	s8 =	sld [smem:$0x3FB7]  }
0x2e: {  	s3 =	simm.s32 @!p0 $0x1082;
	s9 =	sld [smem:$0x3FB8]  }
0x2f: {  	lr =	sadd.s32 s0, s3;
	s0 =	sld [smem:$0x3FAF]  }
0x30: {  	s3 =	sld [smem:$0x3FB2]  }
0x31: {  	[smem:$0x3FBB] =	sst s10  }
0x32: {  	s10 =	sld [smem:$0x3FB9];
	_ =	sdelay $0x3  }
0x33: {  	p0 =	seq.s32 s10, $0x1;
	s10 =	sld [smem:$0x3FBB];
	_ =	sdelay $0x3  }
0x34: {  	[smem:$0x3FBB] =	sst s10  }
0x35: {  	s10 =	sld [smem:$0x3FBA];
	_ =	sdelay $0x3  }
0x36: {  	p1 =	seq.s32 s10, $0x1;
	s10 =	sld [smem:$0x3FBB];
	_ =	sdelay $0x3  }
0x37: {  	[smem:$0x3FBB] =	sst s10  }
0x38: {  	s10 =	sld [smem:$0x3FBC]  }
0x39: {  	_ = 	snop;
	(pc) =	sbr.ind lr, $3  }
0x3a: {  	_ = 	snop  }
0x3b: {  	_ = 	snop  }
0x3c: {  	p2 =	seq.s32 s10, $0x1;
	s10 =	sld [smem:$0x3FBB]  }
0x3d: {  	_ =	shalt  }
0x3e: {  	_ =	shalt  }
0x3f: {  	_ =	shalt  }
0x40: {  	_ =	shalt  }
0x41: {  	_ =	shalt  }
0x42: {  	_ =	shalt  }
0x43: {  	_ =	shalt  }
0x44: {  	_ =	shalt  }
0x45: {  	_ =	shalt  }
0x46: {  	_ =	shalt  }
0x47: {  	_ =	shalt  }
0x48: {  	_ =	shalt  }
0x49: {  	_ =	shalt  }
0x4a: {  	_ =	shalt  }
0x4b: {  	_ =	shalt  }
0x4c: {  	_ =	shalt  }
0x4d: {  	_ =	shalt  }
0x4e: {  	_ =	shalt  }
0x4f: {  	_ =	shalt  }
0x50: {  	_ =	shalt  }
0x51: {  	_ =	shalt  }
0x52: {  	_ =	shalt  }
0x53: {  	_ =	shalt  }
0x54: {  	_ =	shalt  }
0x55: {  	_ =	shalt  }
0x56: {  	_ =	shalt  }
0x57: {  	_ =	shalt  }
0x58: {  	_ =	shalt  }
0x59: {  	_ =	shalt  }
0x5a: {  	_ =	shalt  }
0x5b: {  	_ =	shalt  }
0x5c: {  	_ =	shalt  }
0x5d: {  	_ =	shalt  }
0x5e: {  	_ =	shalt  }
0x5f: {  	_ =	shalt  }
0x60: {  	_ =	shalt  }
0x61: {  	_ =	shalt  }
0x62: {  	_ =	shalt  }
0x63: {  	_ =	shalt  }
0x64: {  	_ =	shalt  }
0x65: {  	_ =	shalt  }
0x66: {  	_ =	shalt  }
0x67: {  	_ =	shalt  }
0x68: {  	_ =	shalt  }
0x69: {  	_ =	shalt  }
0x6a: {  	_ =	shalt  }
0x6b: {  	_ =	shalt  }
0x6c: {  	_ =	shalt  }
0x6d: {  	_ =	shalt  }
0x6e: {  	_ =	shalt  }
0x6f: {  	_ =	shalt  }
0x70: {  	_ =	shalt  }
0x71: {  	_ =	shalt  }
0x72: {  	_ =	shalt  }
0x73: {  	_ =	shalt  }
0x74: {  	_ =	shalt  }
0x75: {  	_ =	shalt  }
0x76: {  	_ =	shalt  }
0x77: {  	_ =	shalt  }
0x78: {  	_ =	shalt  }
0x79: {  	_ =	shalt  }
0x7a: {  	_ =	shalt  }
0x7b: {  	_ =	shalt  }
0x7c: {  	_ =	shalt  }
0x7d: {  	_ =	shalt  }
0x7e: {  	_ =	shalt  }
0x7f: {  	_ =	shalt  }
0x80: {  	_ =	shalt  }
0x81: {  	_ =	shalt  }
0x82: {  	_ =	shalt  }
0x83: {  	_ =	shalt  }
0x84: {  	_ =	shalt  }
0x85: {  	_ =	shalt  }
0x86: {  	_ =	shalt  }
0x87: {  	_ =	shalt  }
.Lfunc_end0:
.L_simem_size_0:
called_computation_lowered:
.L_overlay_start_0:
0x88: {  	s2 =	sld [smem:$0x3FD9]  }
0x89: {  	s3 =	sld [smem:$0x3FFE];
	_ =	sdelay $0x1  }
0x8a: {  	s1 =	srdreg.scid  }
0x8b: {  	s0 =	sand.u32 $0x1, s1  }
0x8c: {  	s14 =	sshll.u32 s0, $0xA;
	s2 =	sadd.s32 s3, s2  }
0x8d: {  	s2 =	sadd.s32 s2, s14  }
0x8e: {  	[smem:$0x3FC7] =	sst s2  }
0x8f: {  	_ = 	snop  }
0x90: {  	s2 =	sld [smem:$0x3FD0];
	_ =	sdelay $0x2  }
0x91: {  	s4 =	simm.s32 $0xA;
	s5 =	simm.s32 $0x10;
	s15 =	sld [smem:$0x3FC9]  }
0x92: {  	[smem:s5], [sflag:s4] =	dma.local [hbm:s2], $0x1  }
0x93: {  	_ =	swait.eq [sflag:s4], $0x1  }
0x94: {  	s16 =	sld [smem:$0x10];
	[sflag:s4] =	ssyncset.done $0x0  }
0x95: {  	s17 =	sld [smem:$0x11];
	[sflag:s4] =	ssyncadd.s32 $0xFFFFFFFF  }
0x96: {  	s18 =	sld [smem:$0x12];
	(tm) =	ssettm $0x1  }
0x97: {  	s6 =	sld [smem:$0x3FFB];
	_ =	sdelay $0x3  }
0x98: {  	_ =	strace s6  }
0x99: {  	s6 =	sld [smem:$0x3FFC];
	_ =	sdelay $0x3  }
0x9a: {  	_ =	strace s6  }
0x9b: {  	s6 =	sld [smem:$0x3FFD];
	_ =	sdelay $0x3  }
0x9c: {  	_ =	strace s6  }
0x9d: {  	_ =	strace $0x8FFFFFFF  }
0x9e: {  	s19 =	sld [smem:$0x3FDB];
	_ =	sdelay $0x1  }
0x9f: {  	s7 =	simm.s32 $_scs_section_size  }
0xa0: {  	s8 =	simm.s32 $_size__tile_overlayer_lowered;
	s9 =	simm.s32 $_tile_overlayer_lowered  }
0xa1: {  	s22 =	simm.s32 $0x1BFF;
	s21 =	sshll.u32 s9, $0x1;
	s6 =	sadd.s32 s7, s19  }
0xa2: {  	s10 =	simm.s32 $0x0;
	s20 =	sshll.u32 s8, $0x1;
	s8 =	sadd.s32 s21, s6  }
0xa3: {  	[timem:s10], [sflag:s22] =	dma.local [hbm:s8], s20  }
0xa4: {  	_ =	swait.ge [sflag:s22], s20  }
0xa5: {  	s7 =	ssub.s32 $0x0, s20;
	[sflag:s22] =	ssyncset.done $0x0  }
0xa6: {  	[sflag:s22] =	ssyncadd.s32 s7;
	_ =	sdelay $0x1  }
0xa7: {  	s23 =	simm.s32 $0x1B8B  }
0xa8: {  	_ =	swait.ge [sflag:s23], $0x1  }
0xa9: {  	[sflag:s23] =	ssyncset.done $0x0  }
0xaa: {  	s25 =	simm.s32 $0x1B8E;
	s24 =	sld [smem:$0x3FFE];
	[sflag:s23] =	ssyncadd.s32 $0xFFFFFFFF  }
0xab: {  	s26 =	simm.s32 $execute0_lowered;
	[smem:$0x3FD2] =	sst s25  }
0xac: {  	s8 =	sshll.u32 s26, $0x1;
	_ =	strace $0x80000046;
	[dreg:$0x1] =	wrdreg $0xFFFFFFFF  }
0xad: {  	s28 =	simm.s32 $_size_execute0_lowered;
	s6 =	sadd.s32 s6, s8;
	[dreg:$0x0] =	wrdreg $0x0  }
0xae: {  	s8 =	sshll.u32 s28, $0x1;
	[dreg:$0x2] =	wrdreg s6  }
0xaf: {  	[dreg:$0x3] =	wrdreg s8  }
0xb0: {  	[dreg:$0x4] =	wrdreg $0xC0  }
0xb1: {  	_ =	task [dreg:s10], $0x5FFFF  }
0xb2: {  	[dreg:$0x1] =	wrdreg $0xFFFFFFFF  }
0xb3: {  	[dreg:$0x0] =	wrdreg $0x60  }
0xb4: {  	[dreg:$0x2] =	wrdreg s15  }
0xb5: {  	[dreg:$0x3] =	wrdreg s24  }
0xb6: {  	[dreg:$0x4] =	wrdreg s16  }
0xb7: {  	[dreg:$0x5] =	wrdreg s17  }
0xb8: {  	[dreg:$0x6] =	wrdreg s18  }
0xb9: {  	[dreg:$0x7] =	wrdreg $0x9  }
0xba: {  	_ =	task.clear_ibuf [dreg:s10], $0x8FFFF;
	_ =	strace $0x90000046  }
0xbb: {  	s29 =	simm.s32 $0x9;
	_ =	strace $0x80000048  }
0xbc: {  	_ =	swait.ge [sflag:s29], $0x1  }
0xbd: {  	[sflag:s29] =	ssyncadd.s32 $0xFFFFFFFF  }
0xbe: {  	_ =	strace $0x90000048  }
0xbf: {  	_ =	sfence  }
0xc0: {  	s30 =	sld [smem:$0x0];
	_ =	sdelay $0x2  }
0xc1: {  	s31 =	sshll.u32 s1, $0xD;
	s1 =	sshrl.u32 s1, $0x2  }
0xc2: {  	s3 =	sand.u32 $0x4000, s31;
	s1 =	sadd.s32 s1, s30  }
0xc3: {  	s0 =	sor.u32 s3, s0;
	s1 =	sshll.u32 s1, $0x11  }
0xc4: {  	s0 =	sor.u32 s1, s0  }
0xc5: {  	s0 =	sadd.s32 $0x8F2B, s0  }
0xc6: {  	[sflag:s0] =	ssyncadd.remote.s32 $0x1  }
0xc7: {  	_ =	sfence.sel $0xFFFF  }
0xc8: {  	[dreg:$0x0] =	wrdreg $0xFFFFFFFF;
	(pc) =	sbr.abs _section_cstart, $3  }
0xc9: {  	[dreg:$0x1] =	wrdreg $0xFFFFFFFF  }
0xca: {  	_ =	task.clear_ibuf [dreg:s10], $0x2FFFF;
	_ =	strace $0x9FFFFFFF  }
0xcb: {  	(tm) =	ssettm $0x7FFFFFFF  }
tec
execute0_lowered:
.L_overlay_start_1:
0x0: {  	(tag) =	ssettag $0x1  }
0x1: {  	s1 =	rddreg [dreg:$0x0]  }
0x2: {  	s0 =	rddreg [dreg:$0x1]  }
0x3: {  	s2 =	rddreg [dreg:$0x2]  }
0x4: {  	s4 =	rddreg [dreg:$0x3]  }
0x5: {  	s5 =	rddreg [dreg:$0x4]  }
0x6: {  	s3 =	simm.s32 $0x0;
	s6 =	srdreg.scid;
	s11 =	stileid.u32  }
0x7: {  	s15 =	simm.s32 $0x400;
	s14 =	simm.s32 $0xC400;
	s19 =	simm.s32 $0xCC00  }
0x8: {  	s28 =	simm.s32 $0x12C00;
	s29 =	simm.s32 $0x13400;
	s30 =	simm.s32 $0x13C00  }
0x9: {  	s31 =	simm.s32 $0x14400;
	s12 =	simm.s32 $0x1;
	s18 =	simm.s32 $0x0  }
0xa: {  	[smem:$0x7FF] =	sst s3;
	s6 =	sand.u32 $0x1, s6;
	s7 =	sshll.u32 s11, $0x1  }
0xb: {  	s20 =	sshll.u32 s11, $0xB;
	s22 =	sshll.u32 s11, $0x6;
	s11 =	sadd.s32 $0x200, s1  }
0xc: {  	_ =	strace $0x80000047;
	s7 =	sor.u32 s6, s7;
	s8 =	ssub.s32 $0x2, s6  }
0xd: {  	s6 =	sshll.u32 s6, $0xA;
	s23 =	sor.u32 $0x1C03, s22;
	s22 =	simm.s32 $0x10400  }
0xe: {  	s9 =	sshll.u32 s7, $0x7;
	s7 =	sshll.u32 s7, $0x9;
	s10 =	sshrl.u32 s8, $0x1  }
0xf: {  	[dreg:$0x8] =	wrdreg s23;
	s23 =	simm.s32 $0x10C00;
	s9 =	sadd.s32 s9, s0  }
0x10: {  	s0 =	sadd.s32 s7, s0;
	s8 =	ssub.s32 s8, s10;
	s4 =	sadd.s32 s4, s7  }
0x11: {  	s5 =	sadd.s32 s5, s7;
	s10 =	sadd.s32 $0x100, s1;
	s7 =	simm.s32 $0x16C00  }
0x12: {  	[dreg:$0x6] =	wrdreg s4;
	s21 =	sadd.s32 $0x4800, s0;
	s4 =	sor.u32 s6, s20  }
0x13: {  	[dreg:$0x9] =	wrdreg s5;
	s0 =	sadd.s32 $0x800, s0;
	s24 =	sadd.s32 $0x8800, s9  }
0x14: {  	s26 =	smax.u32 s8, $0x1;
	s20 =	simm.s32 $0xF400;
	[dreg:$0x7] =	wrdreg s21  }
0x15: {  	s5 =	simm.s32 $0x16400;
	s8 =	simm.s32 $0x17400;
	[dreg:$0xa] =	wrdreg s0  }
.Ltmp0:
0x16: {  	s9 =	simm.s32 $0x17C00;
	[dreg:$0xb] =	wrdreg s24;
	(pc) =	sbr.rel .LBB2_1-.Ltmp0, $4  }
0x17: {  	s6 =	simm.s32 $0x2;
	s4 =	sshrl.u32 s4, $0x3;
	[dreg:$0xc] =	wrdreg s26  }
0x18: {  	v2 =	vlaneseq.u32;
	s21 =	simm.s32 $0xFC00;
	s24 =	simm.s32 $0x11400;
	s25 =	smul.u32 $0x300, s4  }
0x19: {  	vm0 =	vmmov $0xffff;
	v1 =	vshrl.u32 v2, $0x3;
	s26 =	simm.s32 $0x12400;
	s0 =	simm.s32 $0x14C00;
	s4 =	simm.s32 $0x15C00  }
0x1a: {  	v0 =	vand.u32 $0x7, v2;
	v2 =	vor.u32 $0x8, v2;
	v1 =	vmul.u32 $0x8, v1;
	s13 =	sadd.s32 s25, s2;
	s25 =	simm.s32 $0x11C00;
	s2 =	simm.s32 $0x15400  }
.LBB2_6:
0x1b: {  	_ =	swait.ge [sflag:s6], $0xC000  }
0x1c: {  	[sflag:s6] =	ssyncset.done $0x0  }
0x1d: {  	s17 =	simm.s32 $0x3;
	[sflag:s6] =	ssyncadd.s32 $0xFFFF4000  }
0x1e: {  	_ =	swait.ge [sflag:s17], $0x200  }
0x1f: {  	[sflag:s17] =	ssyncset.done $0x0  }
0x20: {  	[sflag:s17] =	ssyncadd.s32 $0xFFFFFE00  }
0x21: {  	_ =	swait.ge [sflag:s17], $0x200  }
0x22: {  	s18 =	rddreg [dreg:$0xd]  }
0x23: {  	s16 =	rddreg [dreg:$0xc];
	s18 =	sadd.s32 $0x1, s18  }
0x24: {  	p0 =	sne.s32 s18, s16  }
.Ltmp1:
0x25: {  	_ = 	snop;
	(pc) =	sbr.rel @!p0 .LBB2_7-.Ltmp1, $3  }
0x26: {  	_ =	sdelay $0x1  }
0x27: {  	[sflag:s17] =	ssyncset.done $0x0  }
0x28: {  	[sflag:s17] =	ssyncadd.s32 $0xFFFFFE00  }
.LBB2_1:
0x29: {  	[dreg:$0xd] =	wrdreg s18  }
0x2a: {  	s16 =	rddreg [dreg:$0x6]  }
0x2b: {  	s17 =	rddreg [dreg:$0x7]  }
0x2c: {  	s18 =	rddreg [dreg:$0x8]  }
0x2d: {  	[hbm:s16], [sflag:s18] =	dma.local [hbm:s17], $0x200  }
0x2e: {  	s16 =	rddreg [dreg:$0x9]  }
0x2f: {  	s17 =	rddreg [dreg:$0xa]  }
0x30: {  	[hbm:s16], [sflag:s18] =	dma.local [hbm:s17], $0x200  }
0x31: {  	s17 =	simm.s32 $0x4;
	s16 =	rddreg [dreg:$0xb]  }
0x32: {  	[tilespmem:s3], [sflag:$0x4] =	stream.linear.gather [hbm4b:s16+s3], $0x400, $0x38;
	[tilespmem:$0x18400] =	vst v63  }
0x33: {  	_ =	swait.ge [sflag:s17], $0x400  }
0x34: {  	[sflag:s17] =	ssyncset.done $0x0  }
0x35: {  	[sflag:s17] =	ssyncadd.s32 $0xFFFFFC00  }
0x36: {  	v3 =	vld [tilespmem:$0x0];
	_ =	sdelay $0x4  }
0x37: {  	v4 =	vshrl.u32 v3, $0x3  }
0x38: {  	v4 =	vmul.u32 $0x30, v4  }
0x39: {  	v3 =	vand.u32 $0x7, v3  }
0x3a: {  	v3 =	vor.u32 v3, v4  }
0x3b: {  	v4 =	vperm.xlane v3, v0;
	_ =	sdelay $0x1  }
0x3c: {  	v4 =	vadd.s32 v1, v4;
	_ =	sdelay $0x3  }
0x3d: {  	v3 =	vperm.xlane v3, v2  }
0x3e: {  	[tilespmem:s15], [sflag:$0x1] =	stream.indirect_vreg.gather [hbm4b:s1+s3], $0x80, v4, vm0, $0xb8;
	[tilespmem:$0x18400] =	vst v63  }
0x3f: {  	s18 =	simm.s32 $0xC00;
	v3 =	vadd.s32 v1, v3  }
0x40: {  	[tilespmem:s18], [sflag:$0x1] =	stream.indirect_vreg.gather [hbm4b:s10+s3], $0x80, v4, vm0, $0xb8;
	[tilespmem:$0x18400] =	vst v63  }
0x41: {  	s17 =	simm.s32 $0x1400  }
0x42: {  	[tilespmem:s17], [sflag:$0x1] =	stream.indirect_vreg.gather [hbm4b:s11+s3], $0x80, v4, vm0, $0xb8;
	[tilespmem:$0x18400] =	vst v63  }
0x43: {  	s18 =	simm.s32 $0x1C00  }
0x44: {  	[tilespmem:s18], [sflag:$0x1] =	stream.indirect_vreg.gather [hbm4b:s1+s3], $0x80, v3, vm0, $0xb8;
	[tilespmem:$0x18400] =	vst v63  }
0x45: {  	s17 =	simm.s32 $0x2400  }
0x46: {  	[tilespmem:s17], [sflag:$0x1] =	stream.indirect_vreg.gather [hbm4b:s10+s3], $0x80, v3, vm0, $0xb8;
	[tilespmem:$0x18400] =	vst v63  }
0x47: {  	s18 =	simm.s32 $0x2C00  }
0x48: {  	[tilespmem:s18], [sflag:$0x1] =	stream.indirect_vreg.gather [hbm4b:s11+s3], $0x80, v3, vm0, $0xb8;
	[tilespmem:$0x18400] =	vst v63  }
0x49: {  	v3 =	vld [tilespmem:$0x10];
	_ =	sdelay $0x4  }
0x4a: {  	v57 =	vshrl.u32 v3, $0x3  }
0x4b: {  	v4 =	vmul.u32 $0x30, v57  }
0x4c: {  	v3 =	vand.u32 $0x7, v3  }
0x4d: {  	v3 =	vor.u32 v3, v4  }
0x4e: {  	v4 =	vperm.xlane v3, v0;
	_ =	sdelay $0x1  }
0x4f: {  	v4 =	vadd.s32 v1, v4;
	_ =	sdelay $0x3  }
0x50: {  	s17 =	simm.s32 $0x3400;
	v3 =	vperm.xlane v3, v2  }
0x51: {  	[tilespmem:s17], [sflag:$0x1] =	stream.indirect_vreg.gather [hbm4b:s1+s3], $0x80, v4, vm0, $0xb8;
	[tilespmem:$0x18400] =	vst v63  }
0x52: {  	s18 =	simm.s32 $0x3C00;
	v3 =	vadd.s32 v1, v3  }
0x53: {  	[tilespmem:s18], [sflag:$0x1] =	stream.indirect_vreg.gather [hbm4b:s10+s3], $0x80, v4, vm0, $0xb8;
	[tilespmem:$0x18400] =	vst v63  }
0x54: {  	s17 =	simm.s32 $0x4400  }
0x55: {  	[tilespmem:s17], [sflag:$0x1] =	stream.indirect_vreg.gather [hbm4b:s11+s3], $0x80, v4, vm0, $0xb8;
	[tilespmem:$0x18400] =	vst v63  }
0x56: {  	s18 =	simm.s32 $0x4C00  }
0x57: {  	[tilespmem:s18], [sflag:$0x1] =	stream.indirect_vreg.gather [hbm4b:s1+s3], $0x80, v3, vm0, $0xb8;
	[tilespmem:$0x18400] =	vst v63  }
0x58: {  	s17 =	simm.s32 $0x5400  }
0x59: {  	[tilespmem:s17], [sflag:$0x1] =	stream.indirect_vreg.gather [hbm4b:s10+s3], $0x80, v3, vm0, $0xb8;
	[tilespmem:$0x18400] =	vst v63  }
0x5a: {  	s18 =	simm.s32 $0x5C00  }
0x5b: {  	[tilespmem:s18], [sflag:$0x1] =	stream.indirect_vreg.gather [hbm4b:s11+s3], $0x80, v3, vm0, $0xb8;
	[tilespmem:$0x18400] =	vst v63  }
0x5c: {  	v3 =	vld [tilespmem:$0x20];
	_ =	sdelay $0x4  }
0x5d: {  	v58 =	vshrl.u32 v3, $0x3  }
0x5e: {  	v4 =	vmul.u32 $0x30, v58  }
0x5f: {  	v3 =	vand.u32 $0x7, v3  }
0x60: {  	v3 =	vor.u32 v3, v4  }
0x61: {  	v4 =	vperm.xlane v3, v0;
	_ =	sdelay $0x1  }
0x62: {  	v4 =	vadd.s32 v1, v4;
	_ =	sdelay $0x3  }
0x63: {  	s17 =	simm.s32 $0x6400;
	v3 =	vperm.xlane v3, v2  }
0x64: {  	[tilespmem:s17], [sflag:$0x1] =	stream.indirect_vreg.gather [hbm4b:s1+s3], $0x80, v4, vm0, $0xb8;
	[tilespmem:$0x18400] =	vst v63  }
0x65: {  	s18 =	simm.s32 $0x6C00;
	v3 =	vadd.s32 v1, v3  }
0x66: {  	[tilespmem:s18], [sflag:$0x1] =	stream.indirect_vreg.gather [hbm4b:s10+s3], $0x80, v4, vm0, $0xb8;
	[tilespmem:$0x18400] =	vst v63  }
0x67: {  	s17 =	simm.s32 $0x7400  }
0x68: {  	[tilespmem:s17], [sflag:$0x1] =	stream.indirect_vreg.gather [hbm4b:s11+s3], $0x80, v4, vm0, $0xb8;
	[tilespmem:$0x18400] =	vst v63  }
0x69: {  	s18 =	simm.s32 $0x7C00  }
0x6a: {  	[tilespmem:s18], [sflag:$0x1] =	stream.indirect_vreg.gather [hbm4b:s1+s3], $0x80, v3, vm0, $0xb8;
	[tilespmem:$0x18400] =	vst v63  }
0x6b: {  	s17 =	simm.s32 $0x8400  }
0x6c: {  	[tilespmem:s17], [sflag:$0x1] =	stream.indirect_vreg.gather [hbm4b:s10+s3], $0x80, v3, vm0, $0xb8;
	[tilespmem:$0x18400] =	vst v63  }
0x6d: {  	s18 =	simm.s32 $0x8C00  }
0x6e: {  	[tilespmem:s18], [sflag:$0x1] =	stream.indirect_vreg.gather [hbm4b:s11+s3], $0x80, v3, vm0, $0xb8;
	[tilespmem:$0x18400] =	vst v63  }
0x6f: {  	v3 =	vld [tilespmem:$0x30];
	_ =	sdelay $0x4  }
0x70: {  	v59 =	vshrl.u32 v3, $0x3  }
0x71: {  	v4 =	vmul.u32 $0x30, v59  }
0x72: {  	v3 =	vand.u32 $0x7, v3  }
0x73: {  	v3 =	vor.u32 v3, v4  }
0x74: {  	v4 =	vperm.xlane v3, v0;
	_ =	sdelay $0x1  }
0x75: {  	v4 =	vadd.s32 v1, v4;
	_ =	sdelay $0x3  }
0x76: {  	s17 =	simm.s32 $0x9400;
	v3 =	vperm.xlane v3, v2  }
0x77: {  	[tilespmem:s17], [sflag:$0x1] =	stream.indirect_vreg.gather [hbm4b:s1+s3], $0x80, v4, vm0, $0xb8;
	[tilespmem:$0x18400] =	vst v63  }
0x78: {  	s18 =	simm.s32 $0x9C00;
	v3 =	vadd.s32 v1, v3  }
0x79: {  	[tilespmem:s18], [sflag:$0x1] =	stream.indirect_vreg.gather [hbm4b:s10+s3], $0x80, v4, vm0, $0xb8;
	[tilespmem:$0x18400] =	vst v63  }
0x7a: {  	s17 =	simm.s32 $0xA400  }
0x7b: {  	[tilespmem:s17], [sflag:$0x1] =	stream.indirect_vreg.gather [hbm4b:s11+s3], $0x80, v4, vm0, $0xb8;
	[tilespmem:$0x18400] =	vst v63  }
0x7c: {  	s18 =	simm.s32 $0xAC00  }
0x7d: {  	[tilespmem:s18], [sflag:$0x1] =	stream.indirect_vreg.gather [hbm4b:s1+s3], $0x80, v3, vm0, $0xb8;
	[tilespmem:$0x18400] =	vst v63  }
0x7e: {  	s17 =	simm.s32 $0xB400  }
0x7f: {  	[tilespmem:s17], [sflag:$0x1] =	stream.indirect_vreg.gather [hbm4b:s10+s3], $0x80, v3, vm0, $0xb8;
	[tilespmem:$0x18400] =	vst v63  }
0x80: {  	s18 =	simm.s32 $0xBC00  }
0x81: {  	[tilespmem:s18], [sflag:$0x1] =	stream.indirect_vreg.gather [hbm4b:s11+s3], $0x80, v3, vm0, $0xb8;
	[tilespmem:$0x18400] =	vst v63  }
0x82: {  	v3 =	vld [tilespmem:$0x40];
	_ =	sdelay $0x4  }
0x83: {  	v60 =	vshrl.u32 v3, $0x3  }
0x84: {  	v4 =	vmul.u32 $0x30, v60  }
0x85: {  	v3 =	vand.u32 $0x7, v3  }
0x86: {  	v3 =	vor.u32 v3, v4  }
0x87: {  	v4 =	vperm.xlane v3, v0;
	_ =	sdelay $0x1  }
0x88: {  	v4 =	vadd.s32 v1, v4;
	_ =	sdelay $0x3  }
0x89: {  	v3 =	vperm.xlane v3, v2  }
0x8a: {  	[tilespmem:s14], [sflag:$0x1] =	stream.indirect_vreg.gather [hbm4b:s1+s3], $0x80, v4, vm0, $0xb8;
	[tilespmem:$0x18400] =	vst v63  }
0x8b: {  	v3 =	vadd.s32 v1, v3  }
0x8c: {  	[tilespmem:s19], [sflag:$0x1] =	stream.indirect_vreg.gather [hbm4b:s10+s3], $0x80, v4, vm0, $0xb8;
	[tilespmem:$0x18400] =	vst v63  }
0x8d: {  	s17 =	simm.s32 $0xD400  }
0x8e: {  	[tilespmem:s17], [sflag:$0x1] =	stream.indirect_vreg.gather [hbm4b:s11+s3], $0x80, v4, vm0, $0xb8;
	[tilespmem:$0x18400] =	vst v63  }
0x8f: {  	s18 =	simm.s32 $0xDC00  }
0x90: {  	[tilespmem:s18], [sflag:$0x1] =	stream.indirect_vreg.gather [hbm4b:s1+s3], $0x80, v3, vm0, $0xb8;
	[tilespmem:$0x18400] =	vst v63  }
0x91: {  	s17 =	simm.s32 $0xE400  }
0x92: {  	[tilespmem:s17], [sflag:$0x1] =	stream.indirect_vreg.gather [hbm4b:s10+s3], $0x80, v3, vm0, $0xb8;
	[tilespmem:$0x18400] =	vst v63  }
0x93: {  	s18 =	simm.s32 $0xEC00  }
0x94: {  	[tilespmem:s18], [sflag:$0x1] =	stream.indirect_vreg.gather [hbm4b:s11+s3], $0x80, v3, vm0, $0xb8;
	[tilespmem:$0x18400] =	vst v63  }
0x95: {  	v3 =	vld [tilespmem:$0x50];
	_ =	sdelay $0x4  }
0x96: {  	v61 =	vshrl.u32 v3, $0x3  }
0x97: {  	v4 =	vmul.u32 $0x30, v61  }
0x98: {  	v3 =	vand.u32 $0x7, v3  }
0x99: {  	v3 =	vor.u32 v3, v4  }
0x9a: {  	v4 =	vperm.xlane v3, v0;
	_ =	sdelay $0x1  }
0x9b: {  	v4 =	vadd.s32 v1, v4;
	_ =	sdelay $0x3  }
0x9c: {  	v3 =	vperm.xlane v3, v2  }
0x9d: {  	[tilespmem:s20], [sflag:$0x1] =	stream.indirect_vreg.gather [hbm4b:s1+s3], $0x80, v4, vm0, $0xb8;
	[tilespmem:$0x18400] =	vst v63  }
0x9e: {  	v3 =	vadd.s32 v1, v3  }
0x9f: {  	[tilespmem:s21], [sflag:$0x1] =	stream.indirect_vreg.gather [hbm4b:s10+s3], $0x80, v4, vm0, $0xb8;
	[tilespmem:$0x18400] =	vst v63  }
0xa0: {  	_ = 	snop  }
0xa1: {  	[tilespmem:s22], [sflag:$0x1] =	stream.indirect_vreg.gather [hbm4b:s11+s3], $0x80, v4, vm0, $0xb8;
	[tilespmem:$0x18400] =	vst v63  }
0xa2: {  	_ = 	snop  }
0xa3: {  	[tilespmem:s23], [sflag:$0x1] =	stream.indirect_vreg.gather [hbm4b:s1+s3], $0x80, v3, vm0, $0xb8;
	[tilespmem:$0x18400] =	vst v63  }
0xa4: {  	_ = 	snop  }
0xa5: {  	[tilespmem:s24], [sflag:$0x1] =	stream.indirect_vreg.gather [hbm4b:s10+s3], $0x80, v3, vm0, $0xb8;
	[tilespmem:$0x18400] =	vst v63  }
0xa6: {  	_ = 	snop  }
0xa7: {  	[tilespmem:s25], [sflag:$0x1] =	stream.indirect_vreg.gather [hbm4b:s11+s3], $0x80, v3, vm0, $0xb8;
	[tilespmem:$0x18400] =	vst v63  }
0xa8: {  	v3 =	vld [tilespmem:$0x60];
	_ =	sdelay $0x4  }
0xa9: {  	v62 =	vshrl.u32 v3, $0x3  }
0xaa: {  	v4 =	vmul.u32 $0x30, v62  }
0xab: {  	v3 =	vand.u32 $0x7, v3  }
0xac: {  	v3 =	vor.u32 v3, v4  }
0xad: {  	v4 =	vperm.xlane v3, v0;
	_ =	sdelay $0x1  }
0xae: {  	v4 =	vadd.s32 v1, v4;
	_ =	sdelay $0x3  }
0xaf: {  	v3 =	vperm.xlane v3, v2  }
0xb0: {  	[tilespmem:s26], [sflag:$0x1] =	stream.indirect_vreg.gather [hbm4b:s1+s3], $0x80, v4, vm0, $0xb8;
	[tilespmem:$0x18400] =	vst v63  }
0xb1: {  	v3 =	vadd.s32 v1, v3  }
0xb2: {  	[tilespmem:s28], [sflag:$0x1] =	stream.indirect_vreg.gather [hbm4b:s10+s3], $0x80, v4, vm0, $0xb8;
	[tilespmem:$0x18400] =	vst v63  }
0xb3: {  	_ = 	snop  }
0xb4: {  	[tilespmem:s29], [sflag:$0x1] =	stream.indirect_vreg.gather [hbm4b:s11+s3], $0x80, v4, vm0, $0xb8;
	[tilespmem:$0x18400] =	vst v63  }
0xb5: {  	_ = 	snop  }
0xb6: {  	[tilespmem:s30], [sflag:$0x1] =	stream.indirect_vreg.gather [hbm4b:s1+s3], $0x80, v3, vm0, $0xb8;
	[tilespmem:$0x18400] =	vst v63  }
0xb7: {  	_ = 	snop  }
0xb8: {  	[tilespmem:s31], [sflag:$0x1] =	stream.indirect_vreg.gather [hbm4b:s10+s3], $0x80, v3, vm0, $0xb8;
	[tilespmem:$0x18400] =	vst v63  }
0xb9: {  	_ = 	snop  }
0xba: {  	[tilespmem:s0], [sflag:$0x1] =	stream.indirect_vreg.gather [hbm4b:s11+s3], $0x80, v3, vm0, $0xb8;
	[tilespmem:$0x18400] =	vst v63  }
0xbb: {  	v3 =	vld [tilespmem:$0x70];
	_ =	sdelay $0x4  }
0xbc: {  	v63 =	vshrl.u32 v3, $0x3  }
0xbd: {  	v4 =	vmul.u32 $0x30, v63  }
0xbe: {  	v3 =	vand.u32 $0x7, v3  }
0xbf: {  	v3 =	vor.u32 v3, v4  }
0xc0: {  	v4 =	vperm.xlane v3, v0;
	_ =	sdelay $0x1  }
0xc1: {  	v4 =	vadd.s32 v1, v4;
	_ =	sdelay $0x3  }
0xc2: {  	v3 =	vperm.xlane v3, v2  }
0xc3: {  	[tilespmem:s2], [sflag:$0x1] =	stream.indirect_vreg.gather [hbm4b:s1+s3], $0x80, v4, vm0, $0xb8;
	[tilespmem:$0x18400] =	vst v63  }
0xc4: {  	v3 =	vadd.s32 v1, v3  }
0xc5: {  	[tilespmem:s4], [sflag:$0x1] =	stream.indirect_vreg.gather [hbm4b:s10+s3], $0x80, v4, vm0, $0xb8;
	[tilespmem:$0x18400] =	vst v63  }
0xc6: {  	_ = 	snop  }
0xc7: {  	[tilespmem:s5], [sflag:$0x1] =	stream.indirect_vreg.gather [hbm4b:s11+s3], $0x80, v4, vm0, $0xb8;
	[tilespmem:$0x18400] =	vst v63  }
0xc8: {  	_ = 	snop  }
0xc9: {  	[tilespmem:s7], [sflag:$0x1] =	stream.indirect_vreg.gather [hbm4b:s1+s3], $0x80, v3, vm0, $0xb8;
	[tilespmem:$0x18400] =	vst v63  }
0xca: {  	_ = 	snop  }
0xcb: {  	[tilespmem:s8], [sflag:$0x1] =	stream.indirect_vreg.gather [hbm4b:s10+s3], $0x80, v3, vm0, $0xb8;
	[tilespmem:$0x18400] =	vst v63  }
0xcc: {  	s16 =	simm.s32 $0xF0;
	s17 =	simm.s32 $0x0  }
0xcd: {  	[tilespmem:s9], [sflag:$0x1] =	stream.indirect_vreg.gather [hbm4b:s11+s3], $0x80, v3, vm0, $0xb8;
	[tilespmem:$0x18400] =	vst v63  }
.LBB2_2:
0xce: {  	p0 =	seq.s32 s17, $0x15000  }
.Ltmp2:
0xcf: {  	_ = 	snop;
	(pc) =	sbr.rel @p0 .LBB2_4-.Ltmp2, $4  }
0xd0: {  	_ =	swait.ge [sflag:s12], $0xC000  }
0xd1: {  	[sflag:s12] =	ssyncset.done $0x0  }
0xd2: {  	s18 =	sadd.s32 s17, s13;
	[sflag:s12] =	ssyncadd.s32 $0xFFFF4000  }
0xd3: {  	[hbm4b:s18+s3] =	stream.linear.scatter [tilespmem:s15], [sflag:$0x2], $0xC000, $0x38;
	[tilespmem:$0x18400] =	vst v63  }
0xd4: {  	_ =	swait.ge [sflag:s6], $0xC000  }
0xd5: {  	[sflag:s6] =	ssyncset.done $0x0  }
0xd6: {  	[sflag:s6] =	ssyncadd.s32 $0xFFFF4000  }
0xd7: {  	v3 =	vld [tilespmem:s16+$0xFFFFFF90];
	_ =	sdelay $0x4  }
0xd8: {  	v4 =	vshrl.u32 v3, $0x3  }
0xd9: {  	v4 =	vmul.u32 $0x30, v4  }
0xda: {  	v3 =	vand.u32 $0x7, v3  }
0xdb: {  	v3 =	vor.u32 v3, v4  }
0xdc: {  	v4 =	vperm.xlane v3, v0;
	_ =	sdelay $0x1  }
0xdd: {  	v4 =	vadd.s32 v1, v4;
	_ =	sdelay $0x3  }
0xde: {  	v3 =	vperm.xlane v3, v2  }
0xdf: {  	[tilespmem:s15], [sflag:$0x1] =	stream.indirect_vreg.gather [hbm4b:s1+s3], $0x80, v4, vm0, $0xb8;
	[tilespmem:$0x18400] =	vst v63  }
0xe0: {  	s19 =	simm.s32 $0xC00;
	v3 =	vadd.s32 v1, v3  }
0xe1: {  	[tilespmem:s19], [sflag:$0x1] =	stream.indirect_vreg.gather [hbm4b:s10+s3], $0x80, v4, vm0, $0xb8;
	[tilespmem:$0x18400] =	vst v63  }
0xe2: {  	s19 =	simm.s32 $0x1400  }
0xe3: {  	[tilespmem:s19], [sflag:$0x1] =	stream.indirect_vreg.gather [hbm4b:s11+s3], $0x80, v4, vm0, $0xb8;
	[tilespmem:$0x18400] =	vst v63  }
0xe4: {  	s19 =	simm.s32 $0x1C00  }
0xe5: {  	[tilespmem:s19], [sflag:$0x1] =	stream.indirect_vreg.gather [hbm4b:s1+s3], $0x80, v3, vm0, $0xb8;
	[tilespmem:$0x18400] =	vst v63  }
0xe6: {  	s19 =	simm.s32 $0x2400  }
0xe7: {  	[tilespmem:s19], [sflag:$0x1] =	stream.indirect_vreg.gather [hbm4b:s10+s3], $0x80, v3, vm0, $0xb8;
	[tilespmem:$0x18400] =	vst v63  }
0xe8: {  	s19 =	simm.s32 $0x2C00  }
0xe9: {  	[tilespmem:s19], [sflag:$0x1] =	stream.indirect_vreg.gather [hbm4b:s11+s3], $0x80, v3, vm0, $0xb8;
	[tilespmem:$0x18400] =	vst v63  }
0xea: {  	v3 =	vld [tilespmem:s16+$0xFFFFFFA0];
	_ =	sdelay $0x4  }
0xeb: {  	v61 =	vshrl.u32 v3, $0x3  }
0xec: {  	v4 =	vmul.u32 $0x30, v61  }
0xed: {  	v3 =	vand.u32 $0x7, v3  }
0xee: {  	v3 =	vor.u32 v3, v4  }
0xef: {  	v4 =	vperm.xlane v3, v0;
	_ =	sdelay $0x1  }
0xf0: {  	v4 =	vadd.s32 v1, v4;
	_ =	sdelay $0x3  }
0xf1: {  	s19 =	simm.s32 $0x3400;
	v3 =	vperm.xlane v3, v2  }
0xf2: {  	[tilespmem:s19], [sflag:$0x1] =	stream.indirect_vreg.gather [hbm4b:s1+s3], $0x80, v4, vm0, $0xb8;
	[tilespmem:$0x18400] =	vst v63  }
0xf3: {  	v3 =	vadd.s32 v1, v3;
	s19 =	simm.s32 $0x3C00  }
0xf4: {  	[tilespmem:s19], [sflag:$0x1] =	stream.indirect_vreg.gather [hbm4b:s10+s3], $0x80, v4, vm0, $0xb8;
	[tilespmem:$0x18400] =	vst v63  }
0xf5: {  	s19 =	simm.s32 $0x4400  }
0xf6: {  	[tilespmem:s19], [sflag:$0x1] =	stream.indirect_vreg.gather [hbm4b:s11+s3], $0x80, v4, vm0, $0xb8;
	[tilespmem:$0x18400] =	vst v63  }
0xf7: {  	s19 =	simm.s32 $0x4C00  }
0xf8: {  	[tilespmem:s19], [sflag:$0x1] =	stream.indirect_vreg.gather [hbm4b:s1+s3], $0x80, v3, vm0, $0xb8;
	[tilespmem:$0x18400] =	vst v63  }
0xf9: {  	s19 =	simm.s32 $0x5400  }
0xfa: {  	[tilespmem:s19], [sflag:$0x1] =	stream.indirect_vreg.gather [hbm4b:s10+s3], $0x80, v3, vm0, $0xb8;
	[tilespmem:$0x18400] =	vst v63  }
0xfb: {  	s19 =	simm.s32 $0x5C00  }
0xfc: {  	[tilespmem:s19], [sflag:$0x1] =	stream.indirect_vreg.gather [hbm4b:s11+s3], $0x80, v3, vm0, $0xb8;
	[tilespmem:$0x18400] =	vst v63  }
0xfd: {  	v3 =	vld [tilespmem:s16+$0xFFFFFFB0];
	_ =	sdelay $0x4  }
0xfe: {  	v62 =	vshrl.u32 v3, $0x3  }
0xff: {  	v4 =	vmul.u32 $0x30, v62  }
0x100: {  	v3 =	vand.u32 $0x7, v3  }
0x101: {  	v3 =	vor.u32 v3, v4  }
0x102: {  	v4 =	vperm.xlane v3, v0;
	_ =	sdelay $0x1  }
0x103: {  	v4 =	vadd.s32 v1, v4;
	_ =	sdelay $0x3  }
0x104: {  	s19 =	simm.s32 $0x6400;
	v3 =	vperm.xlane v3, v2  }
0x105: {  	[tilespmem:s19], [sflag:$0x1] =	stream.indirect_vreg.gather [hbm4b:s1+s3], $0x80, v4, vm0, $0xb8;
	[tilespmem:$0x18400] =	vst v63  }
0x106: {  	v3 =	vadd.s32 v1, v3;
	s19 =	simm.s32 $0x6C00  }
0x107: {  	[tilespmem:s19], [sflag:$0x1] =	stream.indirect_vreg.gather [hbm4b:s10+s3], $0x80, v4, vm0, $0xb8;
	[tilespmem:$0x18400] =	vst v63  }
0x108: {  	s19 =	simm.s32 $0x7400  }
0x109: {  	[tilespmem:s19], [sflag:$0x1] =	stream.indirect_vreg.gather [hbm4b:s11+s3], $0x80, v4, vm0, $0xb8;
	[tilespmem:$0x18400] =	vst v63  }
0x10a: {  	s19 =	simm.s32 $0x7C00  }
0x10b: {  	[tilespmem:s19], [sflag:$0x1] =	stream.indirect_vreg.gather [hbm4b:s1+s3], $0x80, v3, vm0, $0xb8;
	[tilespmem:$0x18400] =	vst v63  }
0x10c: {  	s19 =	simm.s32 $0x8400  }
0x10d: {  	[tilespmem:s19], [sflag:$0x1] =	stream.indirect_vreg.gather [hbm4b:s10+s3], $0x80, v3, vm0, $0xb8;
	[tilespmem:$0x18400] =	vst v63  }
0x10e: {  	s19 =	simm.s32 $0x8C00  }
0x10f: {  	[tilespmem:s19], [sflag:$0x1] =	stream.indirect_vreg.gather [hbm4b:s11+s3], $0x80, v3, vm0, $0xb8;
	[tilespmem:$0x18400] =	vst v63  }
0x110: {  	v3 =	vld [tilespmem:s16+$0xFFFFFFC0];
	_ =	sdelay $0x4  }
0x111: {  	v63 =	vshrl.u32 v3, $0x3  }
0x112: {  	v4 =	vmul.u32 $0x30, v63  }
0x113: {  	v3 =	vand.u32 $0x7, v3  }
0x114: {  	v3 =	vor.u32 v3, v4  }
0x115: {  	v4 =	vperm.xlane v3, v0;
	_ =	sdelay $0x1  }
0x116: {  	v4 =	vadd.s32 v1, v4;
	_ =	sdelay $0x3  }
0x117: {  	s19 =	simm.s32 $0x9400;
	v3 =	vperm.xlane v3, v2  }
0x118: {  	[tilespmem:s19], [sflag:$0x1] =	stream.indirect_vreg.gather [hbm4b:s1+s3], $0x80, v4, vm0, $0xb8;
	[tilespmem:$0x18400] =	vst v63  }
0x119: {  	v3 =	vadd.s32 v1, v3;
	s19 =	simm.s32 $0x9C00  }
0x11a: {  	[tilespmem:s19], [sflag:$0x1] =	stream.indirect_vreg.gather [hbm4b:s10+s3], $0x80, v4, vm0, $0xb8;
	[tilespmem:$0x18400] =	vst v63  }
0x11b: {  	s19 =	simm.s32 $0xA400  }
0x11c: {  	[tilespmem:s19], [sflag:$0x1] =	stream.indirect_vreg.gather [hbm4b:s11+s3], $0x80, v4, vm0, $0xb8;
	[tilespmem:$0x18400] =	vst v63  }
0x11d: {  	s19 =	simm.s32 $0xAC00  }
0x11e: {  	[tilespmem:s19], [sflag:$0x1] =	stream.indirect_vreg.gather [hbm4b:s1+s3], $0x80, v3, vm0, $0xb8;
	[tilespmem:$0x18400] =	vst v63  }
0x11f: {  	s19 =	simm.s32 $0xB400  }
0x120: {  	[tilespmem:s19], [sflag:$0x1] =	stream.indirect_vreg.gather [hbm4b:s10+s3], $0x80, v3, vm0, $0xb8;
	[tilespmem:$0x18400] =	vst v63  }
0x121: {  	s19 =	simm.s32 $0xBC00  }
0x122: {  	[tilespmem:s19], [sflag:$0x1] =	stream.indirect_vreg.gather [hbm4b:s11+s3], $0x80, v3, vm0, $0xb8;
	[tilespmem:$0x18400] =	vst v63  }
0x123: {  	s19 =	simm.s32 $0xCC00  }
.LBB2_4:
0x124: {  	_ =	swait.ge [sflag:s12], $0xC000  }
0x125: {  	[sflag:s12] =	ssyncset.done $0x0  }
.Ltmp3:
0x126: {  	s18 =	sadd.s32 $0x1800, s18;
	[sflag:s12] =	ssyncadd.s32 $0xFFFF4000;
	(pc) =	sbr.rel @p0 .LBB2_6-.Ltmp3, $4  }
0x127: {  	[hbm4b:s18+s3] =	stream.linear.scatter [tilespmem:s14], [sflag:$0x2], $0xC000, $0x38;
	[tilespmem:$0x18400] =	vst v63  }
0x128: {  	_ =	swait.ge [sflag:s6], $0xC000  }
0x129: {  	[sflag:s6] =	ssyncset.done $0x0  }
0x12a: {  	[sflag:s6] =	ssyncadd.s32 $0xFFFF4000  }
0x12b: {  	v3 =	vld [tilespmem:s16+$0xFFFFFFD0];
	_ =	sdelay $0x4  }
0x12c: {  	v4 =	vshrl.u32 v3, $0x3  }
0x12d: {  	v4 =	vmul.u32 $0x30, v4  }
0x12e: {  	v3 =	vand.u32 $0x7, v3  }
0x12f: {  	v3 =	vor.u32 v3, v4  }
0x130: {  	v4 =	vperm.xlane v3, v0;
	_ =	sdelay $0x1  }
0x131: {  	v4 =	vadd.s32 v1, v4;
	_ =	sdelay $0x3  }
0x132: {  	v3 =	vperm.xlane v3, v2  }
0x133: {  	[tilespmem:s14], [sflag:$0x1] =	stream.indirect_vreg.gather [hbm4b:s1+s3], $0x80, v4, vm0, $0xb8;
	[tilespmem:$0x18400] =	vst v63  }
0x134: {  	v3 =	vadd.s32 v1, v3  }
0x135: {  	[tilespmem:s19], [sflag:$0x1] =	stream.indirect_vreg.gather [hbm4b:s10+s3], $0x80, v4, vm0, $0xb8;
	[tilespmem:$0x18400] =	vst v63  }
0x136: {  	s18 =	simm.s32 $0xD400  }
0x137: {  	[tilespmem:s18], [sflag:$0x1] =	stream.indirect_vreg.gather [hbm4b:s11+s3], $0x80, v4, vm0, $0xb8;
	[tilespmem:$0x18400] =	vst v63  }
0x138: {  	s18 =	simm.s32 $0xDC00  }
0x139: {  	[tilespmem:s18], [sflag:$0x1] =	stream.indirect_vreg.gather [hbm4b:s1+s3], $0x80, v3, vm0, $0xb8;
	[tilespmem:$0x18400] =	vst v63  }
0x13a: {  	s18 =	simm.s32 $0xE400  }
0x13b: {  	[tilespmem:s18], [sflag:$0x1] =	stream.indirect_vreg.gather [hbm4b:s10+s3], $0x80, v3, vm0, $0xb8;
	[tilespmem:$0x18400] =	vst v63  }
0x13c: {  	s18 =	simm.s32 $0xEC00  }
0x13d: {  	[tilespmem:s18], [sflag:$0x1] =	stream.indirect_vreg.gather [hbm4b:s11+s3], $0x80, v3, vm0, $0xb8;
	[tilespmem:$0x18400] =	vst v63  }
0x13e: {  	v3 =	vld [tilespmem:s16+$0xFFFFFFE0];
	_ =	sdelay $0x4  }
0x13f: {  	v61 =	vshrl.u32 v3, $0x3  }
0x140: {  	v4 =	vmul.u32 $0x30, v61  }
0x141: {  	v3 =	vand.u32 $0x7, v3  }
0x142: {  	v3 =	vor.u32 v3, v4  }
0x143: {  	v4 =	vperm.xlane v3, v0;
	_ =	sdelay $0x1  }
0x144: {  	v4 =	vadd.s32 v1, v4;
	_ =	sdelay $0x3  }
0x145: {  	v3 =	vperm.xlane v3, v2  }
0x146: {  	[tilespmem:s20], [sflag:$0x1] =	stream.indirect_vreg.gather [hbm4b:s1+s3], $0x80, v4, vm0, $0xb8;
	[tilespmem:$0x18400] =	vst v63  }
0x147: {  	v3 =	vadd.s32 v1, v3  }
0x148: {  	[tilespmem:s21], [sflag:$0x1] =	stream.indirect_vreg.gather [hbm4b:s10+s3], $0x80, v4, vm0, $0xb8;
	[tilespmem:$0x18400] =	vst v63  }
0x149: {  	_ = 	snop  }
0x14a: {  	[tilespmem:s22], [sflag:$0x1] =	stream.indirect_vreg.gather [hbm4b:s11+s3], $0x80, v4, vm0, $0xb8;
	[tilespmem:$0x18400] =	vst v63  }
0x14b: {  	_ = 	snop  }
0x14c: {  	[tilespmem:s23], [sflag:$0x1] =	stream.indirect_vreg.gather [hbm4b:s1+s3], $0x80, v3, vm0, $0xb8;
	[tilespmem:$0x18400] =	vst v63  }
0x14d: {  	_ = 	snop  }
0x14e: {  	[tilespmem:s24], [sflag:$0x1] =	stream.indirect_vreg.gather [hbm4b:s10+s3], $0x80, v3, vm0, $0xb8;
	[tilespmem:$0x18400] =	vst v63  }
0x14f: {  	_ = 	snop  }
0x150: {  	[tilespmem:s25], [sflag:$0x1] =	stream.indirect_vreg.gather [hbm4b:s11+s3], $0x80, v3, vm0, $0xb8;
	[tilespmem:$0x18400] =	vst v63  }
0x151: {  	v3 =	vld [tilespmem:s16+$0xFFFFFFF0];
	_ =	sdelay $0x4  }
0x152: {  	v62 =	vshrl.u32 v3, $0x3  }
0x153: {  	v4 =	vmul.u32 $0x30, v62  }
0x154: {  	v3 =	vand.u32 $0x7, v3  }
0x155: {  	v3 =	vor.u32 v3, v4  }
0x156: {  	v4 =	vperm.xlane v3, v0;
	_ =	sdelay $0x1  }
0x157: {  	v4 =	vadd.s32 v1, v4;
	_ =	sdelay $0x3  }
0x158: {  	v3 =	vperm.xlane v3, v2  }
0x159: {  	[tilespmem:s26], [sflag:$0x1] =	stream.indirect_vreg.gather [hbm4b:s1+s3], $0x80, v4, vm0, $0xb8;
	[tilespmem:$0x18400] =	vst v63  }
0x15a: {  	v3 =	vadd.s32 v1, v3  }
0x15b: {  	[tilespmem:s28], [sflag:$0x1] =	stream.indirect_vreg.gather [hbm4b:s10+s3], $0x80, v4, vm0, $0xb8;
	[tilespmem:$0x18400] =	vst v63  }
0x15c: {  	_ = 	snop  }
0x15d: {  	[tilespmem:s29], [sflag:$0x1] =	stream.indirect_vreg.gather [hbm4b:s11+s3], $0x80, v4, vm0, $0xb8;
	[tilespmem:$0x18400] =	vst v63  }
0x15e: {  	_ = 	snop  }
0x15f: {  	[tilespmem:s30], [sflag:$0x1] =	stream.indirect_vreg.gather [hbm4b:s1+s3], $0x80, v3, vm0, $0xb8;
	[tilespmem:$0x18400] =	vst v63  }
0x160: {  	_ = 	snop  }
0x161: {  	[tilespmem:s31], [sflag:$0x1] =	stream.indirect_vreg.gather [hbm4b:s10+s3], $0x80, v3, vm0, $0xb8;
	[tilespmem:$0x18400] =	vst v63  }
0x162: {  	_ = 	snop  }
0x163: {  	[tilespmem:s0], [sflag:$0x1] =	stream.indirect_vreg.gather [hbm4b:s11+s3], $0x80, v3, vm0, $0xb8;
	[tilespmem:$0x18400] =	vst v63  }
0x164: {  	v3 =	vld [tilespmem:s16+$0x0];
	_ =	sdelay $0x4  }
0x165: {  	v63 =	vshrl.u32 v3, $0x3  }
0x166: {  	v4 =	vmul.u32 $0x30, v63  }
0x167: {  	v3 =	vand.u32 $0x7, v3  }
0x168: {  	v3 =	vor.u32 v3, v4  }
0x169: {  	v4 =	vperm.xlane v3, v0;
	_ =	sdelay $0x1  }
0x16a: {  	v4 =	vadd.s32 v1, v4;
	_ =	sdelay $0x3  }
0x16b: {  	v3 =	vperm.xlane v3, v2  }
0x16c: {  	[tilespmem:s2], [sflag:$0x1] =	stream.indirect_vreg.gather [hbm4b:s1+s3], $0x80, v4, vm0, $0xb8;
	[tilespmem:$0x18400] =	vst v63  }
0x16d: {  	v3 =	vadd.s32 v1, v3  }
0x16e: {  	[tilespmem:s4], [sflag:$0x1] =	stream.indirect_vreg.gather [hbm4b:s10+s3], $0x80, v4, vm0, $0xb8;
	[tilespmem:$0x18400] =	vst v63  }
0x16f: {  	_ = 	snop  }
0x170: {  	[tilespmem:s5], [sflag:$0x1] =	stream.indirect_vreg.gather [hbm4b:s11+s3], $0x80, v4, vm0, $0xb8;
	[tilespmem:$0x18400] =	vst v63  }
0x171: {  	_ = 	snop  }
0x172: {  	[tilespmem:s7], [sflag:$0x1] =	stream.indirect_vreg.gather [hbm4b:s1+s3], $0x80, v3, vm0, $0xb8;
	[tilespmem:$0x18400] =	vst v63  }
.Ltmp4:
0x173: {  	_ = 	snop;
	(pc) =	sbr.rel .LBB2_2-.Ltmp4, $4  }
0x174: {  	_ = 	snop  }
0x175: {  	[tilespmem:s8], [sflag:$0x1] =	stream.indirect_vreg.gather [hbm4b:s10+s3], $0x80, v3, vm0, $0xb8;
	[tilespmem:$0x18400] =	vst v63  }
0x176: {  	s17 =	sadd.s32 $0x3000, s17;
	s16 =	sadd.s32 $0x80, s16  }
0x177: {  	[tilespmem:s9], [sflag:$0x1] =	stream.indirect_vreg.gather [hbm4b:s11+s3], $0x80, v3, vm0, $0xb8;
	[tilespmem:$0x18400] =	vst v63  }
.LBB2_7:
0x178: {  	_ =	sfence.sel $0x180000  }
0x179: {  	[bflag:$0x0] =	sbarrier.arrive $0xFFFF  }
0x17a: {  	_ =	strace $0x90000047  }
0x17b: {  	s0 =	stileid.u32;
	[bflag:$0x2] =	sbarrier.arrive $0xFFFF  }
0x17c: {  	p0 =	sne.s32 s0, $0x0;
	s0 =	rddreg [dreg:$0x5]  }
0x17d: {  	s0 =	sadd.s32 @!p0 $0x100000, s0  }
0x17e: {  	[sflag:s0] =	ssyncadd.tile.s32 @!p0 $0x1;
	_ =	shalt  }
.Lfunc_end2:
_tile_overlayer_lowered:
.L_overlay_start_2:
0x17f: {  	(tag) =	ssettag $0x2  }
0x180: {  	s0 =	rddreg [dreg:$0x0];
	s2 =	stileid.u32  }
0x181: {  	s1 =	rddreg [dreg:$0x1];
	p0 =	sne.s32 s2, $0x0  }
0x182: {  	s3 =	rddreg [dreg:$0x2];
	[bflag:$0x3] =	sbarrier.arrive $0xFFFF;
	s2 =	simm.s32 @!p0 $0x1C04  }
0x183: {  	[timem:s3], [sflag:s2] =	dma.local @!p0 [hbm:s0], s1  }
0x184: {  	s0 =	simm.s32 @!p0 $0x4  }
0x185: {  	_ =	swait.ge @!p0 [sflag:s0], s1  }
0x186: {  	s1 =	ssub.s32 @!p0 $0x0, s1;
	[sflag:s0] =	ssyncset.done @!p0 $0x0  }
0x187: {  	[sflag:s0] =	ssyncadd.s32 @!p0 s1  }
0x188: {  	[bflag:$0x3] =	sbarrier.arrive $0xFFFF  }
0x189: {  	_ =	shalt  }

</sc_bundles>
